<compile_context>
chip_gen: v7x
topology: tpu7x:2x2x1
jax: 0.10.2.dev20260603
libtpu: 0.0.44.dev20260713+nightly
codegen_flags: <defaults>
</compile_context>

<pallas_src>
import functools

import jax
import jax.numpy as jnp
from jax import lax
from jax.experimental import pallas as pl
from jax.experimental.pallas import tpu as pltpu
from jax.experimental.pallas import tpu_sc as plsc

NUM_ROWS = 1_000_000
DIM = 64
NA, NT = 4096, 200
BATCH = NA * NT
NC, NS = 2, 16
NW = NC * NS
BPW = BATCH // NW
CHUNK = 128
NCH = BPW // CHUNK
NBUF = 8

_mesh = plsc.VectorSubcoreMesh(core_axis_name="c", subcore_axis_name="s")


@functools.partial(
    pl.kernel,
    mesh=_mesh,
    out_type=jax.ShapeDtypeStruct((BATCH, DIM), jnp.float32),
    compiler_params=pltpu.CompilerParams(use_tc_tiling_on_sc=False),
    scratch_types=[
        pltpu.VMEM((BPW,), jnp.int32),
        *[pltpu.VMEM((CHUNK, DIM), jnp.float32) for _ in range(NBUF)],
        pltpu.SemaphoreType.DMA,
        *[pltpu.SemaphoreType.DMA for _ in range(NBUF)],
        *[pltpu.SemaphoreType.DMA for _ in range(NBUF)],
    ],
)
def _gather(x_hbm, w_hbm, out_hbm, idx_v, *bufs):
    rows = bufs[0:NBUF]
    semi = bufs[NBUF]
    sgs = bufs[NBUF + 1:2 * NBUF + 1]
    sos = bufs[2 * NBUF + 1:]

    wid = lax.axis_index("s") * NC + lax.axis_index("c")
    base = wid * BPW

    pltpu.make_async_copy(x_hbm.at[pl.ds(base, BPW)], idx_v, semi).start()
    pltpu.make_async_copy(x_hbm.at[pl.ds(base, BPW)], idx_v, semi).wait()

    def start_gather(j, p):
        pltpu.make_async_copy(
            w_hbm.at[idx_v.at[pl.ds(j * CHUNK, CHUNK)]], rows[p], sgs[p]
        ).start()

    for p in range(NBUF - 2):
        start_gather(p, p)

    def body(i, carry):
        for p in range(NBUF):
            j = NBUF * i + p

            pltpu.make_async_copy(
                w_hbm.at[idx_v.at[pl.ds(j * CHUNK, CHUNK)]], rows[p], sgs[p]
            ).wait()
            pltpu.make_async_copy(
                rows[p],
                out_hbm.at[pl.ds(base + j * CHUNK, CHUNK), :],
                sos[p],
            ).start()

            pw = (p + NBUF - 2) % NBUF

            @pl.when(j >= 2)
            def _():
                pltpu.make_async_copy(
                    rows[pw], out_hbm.at[pl.ds(base, CHUNK), :], sos[pw]
                ).wait()

            @pl.when(j + NBUF - 2 < NCH)
            def _():
                start_gather(j + NBUF - 2, pw)

        return carry

    lax.fori_loop(0, NCH // NBUF, body, 0)

    for j in (NCH - 2, NCH - 1):
        p = j % NBUF
        pltpu.make_async_copy(
            rows[p], out_hbm.at[pl.ds(base, CHUNK), :], sos[p]
        ).wait()


def kernel(x, weight):
    x1 = x.reshape(BATCH).astype(jnp.int32)
    out = _gather(x1, weight)
    return out.reshape(NA, NT, DIM)

# --- scband reference (transcript-rebuilt; emitter-appended) ---
"""Pipeline reference for scband-qwen-embedding-19653770346790 (READ-ONLY COPY).

The authoritative reference and input builder live on the scoring server;
editing this copy changes nothing except your own understanding.
"""

import jax, jax.numpy as jnp
import numpy as np

NUM_EMBEDDINGS = 1000000
EMBEDDING_DIM = 64


def setup_inputs(seed: int = 0) -> dict:
    key = jax.random.key(seed)
    k_idx, k_w = jax.random.split(key)
    x = jax.random.randint(k_idx, (4096, 200), 0, NUM_EMBEDDINGS, dtype=jnp.int64 if jax.config.jax_enable_x64 else jnp.int32)
    weight = jax.random.normal(k_w, (NUM_EMBEDDINGS, EMBEDDING_DIM), dtype=jnp.float32)
    return {"x": x, "weight": weight}


def reference(x, weight):
    # QwenEmbedding.__call__: jnp.take(self.weight, x, axis=0)
    return jnp.take(weight, x, axis=0)

if __name__ == "__main__":
    import jax
    _d = setup_inputs()
    print(jax.jit(kernel)(*tuple(_d.values())))

</pallas_src>

<mosaic_0001>
#map = affine_map<(d0, d1) -> (0)>
#map1 = affine_map<(d0, d1) -> (0, 0)>
module attributes {stable_mosaic.version = 14 : i64} {
  func.func @_gather(%arg0: i32, %arg1: i32, %arg2: memref<819200xi32, #tpu.memory_space<hbm>>, %arg3: memref<1000000x64xf32, #tpu.memory_space<hbm>>, %arg4: memref<819200x64xf32, #tpu.memory_space<hbm>>, %arg5: memref<25600xi32, #tpu.memory_space<vmem>>, %arg6: memref<128x64xf32, #tpu.memory_space<vmem>>, %arg7: memref<128x64xf32, #tpu.memory_space<vmem>>, %arg8: memref<128x64xf32, #tpu.memory_space<vmem>>, %arg9: memref<128x64xf32, #tpu.memory_space<vmem>>, %arg10: memref<128x64xf32, #tpu.memory_space<vmem>>, %arg11: memref<128x64xf32, #tpu.memory_space<vmem>>, %arg12: memref<128x64xf32, #tpu.memory_space<vmem>>, %arg13: memref<128x64xf32, #tpu.memory_space<vmem>>, %arg14: memref<!tpu.dma_semaphore, #tpu.memory_space<semaphore_mem>>, %arg15: memref<!tpu.dma_semaphore, #tpu.memory_space<semaphore_mem>>, %arg16: memref<!tpu.dma_semaphore, #tpu.memory_space<semaphore_mem>>, %arg17: memref<!tpu.dma_semaphore, #tpu.memory_space<semaphore_mem>>, %arg18: memref<!tpu.dma_semaphore, #tpu.memory_space<semaphore_mem>>, %arg19: memref<!tpu.dma_semaphore, #tpu.memory_space<semaphore_mem>>, %arg20: memref<!tpu.dma_semaphore, #tpu.memory_space<semaphore_mem>>, %arg21: memref<!tpu.dma_semaphore, #tpu.memory_space<semaphore_mem>>, %arg22: memref<!tpu.dma_semaphore, #tpu.memory_space<semaphore_mem>>, %arg23: memref<!tpu.dma_semaphore, #tpu.memory_space<semaphore_mem>>, %arg24: memref<!tpu.dma_semaphore, #tpu.memory_space<semaphore_mem>>, %arg25: memref<!tpu.dma_semaphore, #tpu.memory_space<semaphore_mem>>, %arg26: memref<!tpu.dma_semaphore, #tpu.memory_space<semaphore_mem>>, %arg27: memref<!tpu.dma_semaphore, #tpu.memory_space<semaphore_mem>>, %arg28: memref<!tpu.dma_semaphore, #tpu.memory_space<semaphore_mem>>, %arg29: memref<!tpu.dma_semaphore, #tpu.memory_space<semaphore_mem>>, %arg30: memref<!tpu.dma_semaphore, #tpu.memory_space<semaphore_mem>>) attributes {dimension_semantics = [#tpu.dimension_semantics<core_parallel>, #tpu.dimension_semantics<subcore_parallel>], iteration_bounds = array<i64: 2, 16>, scalar_prefetch = 0 : i64, scratch_operands = 26 : i64, tpu.core_type = #tpu.core_type<sc_vector_subcore>, window_params = [{transform_indices = #map}, {transform_indices = #map1}, {transform_indices = #map1}]} {
    %mul3A = arith.constant 2 : i32
    %mul3A_0 = arith.muli %arg1, %mul3A : i32
    %add3A = arith.addi %mul3A_0, %arg0 : i32
    %mul3A_1 = arith.constant 25600 : i32
    %mul3A_2 = arith.muli %add3A, %mul3A_1 : i32
    %dma_start3A = tpu.memref_slice %arg2[%mul3A_2] : memref<819200xi32, #tpu.memory_space<hbm>> -> memref<25600xi32, #tpu.memory_space<hbm>>
    %dma_start3A_3 = tpu.memref_slice %arg2[%mul3A_2] : memref<819200xi32, #tpu.memory_space<hbm>> -> memref<25600xi32, #tpu.memory_space<hbm>>
    tpu.enqueue_dma source(%dma_start3A_3 : memref<25600xi32, #tpu.memory_space<hbm>>) target(%arg5 : memref<25600xi32, #tpu.memory_space<vmem>>) target_semaphore(%arg14 : memref<!tpu.dma_semaphore, #tpu.memory_space<semaphore_mem>>)
    %dma_wait3A = tpu.memref_slice %arg2[%mul3A_2] : memref<819200xi32, #tpu.memory_space<hbm>> -> memref<25600xi32, #tpu.memory_space<hbm>>
    %dma_wait3A_4 = tpu.memref_slice %arg2[%mul3A_2] : memref<819200xi32, #tpu.memory_space<hbm>> -> memref<25600xi32, #tpu.memory_space<hbm>>
    tpu.wait_dma2 semaphore(%arg14 : memref<!tpu.dma_semaphore, #tpu.memory_space<semaphore_mem>>) src(%dma_wait3A_4 : memref<25600xi32, #tpu.memory_space<hbm>>) dst(%arg5 : memref<25600xi32, #tpu.memory_space<vmem>>)
    %dma_start3A_5 = arith.constant 0 : i32
    %dma_start3A_6 = tpu.memref_slice %arg5[%dma_start3A_5] : memref<25600xi32, #tpu.memory_space<vmem>> -> memref<128xi32, #tpu.memory_space<vmem>>
    %dma_start3A_7 = arith.constant 0 : i32
    %dma_start3A_8 = arith.constant 0 : i32
    %dma_start3A_9 = tpu.memref_slice %arg3[%dma_start3A_7, %dma_start3A_8] : memref<1000000x64xf32, #tpu.memory_space<hbm>> -> memref<1000000x64xf32, #tpu.memory_space<hbm>>
    tpu.enqueue_indirect_dma source(%dma_start3A_9 : memref<1000000x64xf32, #tpu.memory_space<hbm>>) target(%arg6 : memref<128x64xf32, #tpu.memory_space<vmem>>) offsets(%dma_start3A_6 : memref<128xi32, #tpu.memory_space<vmem>>) semaphore(%arg15 : memref<!tpu.dma_semaphore, #tpu.memory_space<semaphore_mem>>)
    %dma_start3A_10 = arith.constant 128 : i32
    %dma_start3A_11 = tpu.memref_slice %arg5[%dma_start3A_10] : memref<25600xi32, #tpu.memory_space<vmem>> -> memref<128xi32, #tpu.memory_space<vmem>>
    %dma_start3A_12 = arith.constant 0 : i32
    %dma_start3A_13 = arith.constant 0 : i32
    %dma_start3A_14 = tpu.memref_slice %arg3[%dma_start3A_12, %dma_start3A_13] : memref<1000000x64xf32, #tpu.memory_space<hbm>> -> memref<1000000x64xf32, #tpu.memory_space<hbm>>
    tpu.enqueue_indirect_dma source(%dma_start3A_14 : memref<1000000x64xf32, #tpu.memory_space<hbm>>) target(%arg7 : memref<128x64xf32, #tpu.memory_space<vmem>>) offsets(%dma_start3A_11 : memref<128xi32, #tpu.memory_space<vmem>>) semaphore(%arg16 : memref<!tpu.dma_semaphore, #tpu.memory_space<semaphore_mem>>)
    %dma_start3A_15 = arith.constant 256 : i32
    %dma_start3A_16 = tpu.memref_slice %arg5[%dma_start3A_15] : memref<25600xi32, #tpu.memory_space<vmem>> -> memref<128xi32, #tpu.memory_space<vmem>>
    %dma_start3A_17 = arith.constant 0 : i32
    %dma_start3A_18 = arith.constant 0 : i32
    %dma_start3A_19 = tpu.memref_slice %arg3[%dma_start3A_17, %dma_start3A_18] : memref<1000000x64xf32, #tpu.memory_space<hbm>> -> memref<1000000x64xf32, #tpu.memory_space<hbm>>
    tpu.enqueue_indirect_dma source(%dma_start3A_19 : memref<1000000x64xf32, #tpu.memory_space<hbm>>) target(%arg8 : memref<128x64xf32, #tpu.memory_space<vmem>>) offsets(%dma_start3A_16 : memref<128xi32, #tpu.memory_space<vmem>>) semaphore(%arg17 : memref<!tpu.dma_semaphore, #tpu.memory_space<semaphore_mem>>)
    %dma_start3A_20 = arith.constant 384 : i32
    %dma_start3A_21 = tpu.memref_slice %arg5[%dma_start3A_20] : memref<25600xi32, #tpu.memory_space<vmem>> -> memref<128xi32, #tpu.memory_space<vmem>>
    %dma_start3A_22 = arith.constant 0 : i32
    %dma_start3A_23 = arith.constant 0 : i32
    %dma_start3A_24 = tpu.memref_slice %arg3[%dma_start3A_22, %dma_start3A_23] : memref<1000000x64xf32, #tpu.memory_space<hbm>> -> memref<1000000x64xf32, #tpu.memory_space<hbm>>
    tpu.enqueue_indirect_dma source(%dma_start3A_24 : memref<1000000x64xf32, #tpu.memory_space<hbm>>) target(%arg9 : memref<128x64xf32, #tpu.memory_space<vmem>>) offsets(%dma_start3A_21 : memref<128xi32, #tpu.memory_space<vmem>>) semaphore(%arg18 : memref<!tpu.dma_semaphore, #tpu.memory_space<semaphore_mem>>)
    %dma_start3A_25 = arith.constant 512 : i32
    %dma_start3A_26 = tpu.memref_slice %arg5[%dma_start3A_25] : memref<25600xi32, #tpu.memory_space<vmem>> -> memref<128xi32, #tpu.memory_space<vmem>>
    %dma_start3A_27 = arith.constant 0 : i32
    %dma_start3A_28 = arith.constant 0 : i32
    %dma_start3A_29 = tpu.memref_slice %arg3[%dma_start3A_27, %dma_start3A_28] : memref<1000000x64xf32, #tpu.memory_space<hbm>> -> memref<1000000x64xf32, #tpu.memory_space<hbm>>
    tpu.enqueue_indirect_dma source(%dma_start3A_29 : memref<1000000x64xf32, #tpu.memory_space<hbm>>) target(%arg10 : memref<128x64xf32, #tpu.memory_space<vmem>>) offsets(%dma_start3A_26 : memref<128xi32, #tpu.memory_space<vmem>>) semaphore(%arg19 : memref<!tpu.dma_semaphore, #tpu.memory_space<semaphore_mem>>)
    %dma_start3A_30 = arith.constant 640 : i32
    %dma_start3A_31 = tpu.memref_slice %arg5[%dma_start3A_30] : memref<25600xi32, #tpu.memory_space<vmem>> -> memref<128xi32, #tpu.memory_space<vmem>>
    %dma_start3A_32 = arith.constant 0 : i32
    %dma_start3A_33 = arith.constant 0 : i32
    %dma_start3A_34 = tpu.memref_slice %arg3[%dma_start3A_32, %dma_start3A_33] : memref<1000000x64xf32, #tpu.memory_space<hbm>> -> memref<1000000x64xf32, #tpu.memory_space<hbm>>
    tpu.enqueue_indirect_dma source(%dma_start3A_34 : memref<1000000x64xf32, #tpu.memory_space<hbm>>) target(%arg11 : memref<128x64xf32, #tpu.memory_space<vmem>>) offsets(%dma_start3A_31 : memref<128xi32, #tpu.memory_space<vmem>>) semaphore(%arg20 : memref<!tpu.dma_semaphore, #tpu.memory_space<semaphore_mem>>)
    %scan3A = arith.constant 0 : i32
    %scan3A_35 = arith.constant 0 : i32
    %scan3A_36 = arith.constant 25 : i32
    %scan3A_37 = arith.addi %scan3A_35, %scan3A_36 : i32
    %scan3A_38 = arith.constant 1 : i32
    scf.for %scan3A_48 = %scan3A_35 to %scan3A_37 step %scan3A_38  : i32 {
      %mul3A_49 = arith.constant 8 : i32
      %mul3A_50 = arith.muli %mul3A_49, %scan3A_48 : i32
      %add3A_51 = arith.constant 0 : i32
      %add3A_52 = arith.addi %mul3A_50, %add3A_51 : i32
      %mul3A_53 = arith.constant 128 : i32
      %mul3A_54 = arith.muli %add3A_52, %mul3A_53 : i32
      %dma_wait3A_55 = tpu.memref_slice %arg5[%mul3A_54] : memref<25600xi32, #tpu.memory_space<vmem>> -> memref<128xi32, #tpu.memory_space<vmem>>
      %dma_wait3A_56 = arith.constant 0 : i32
      %dma_wait3A_57 = arith.constant 0 : i32
      %dma_wait3A_58 = tpu.memref_slice %arg3[%dma_wait3A_56, %dma_wait3A_57] : memref<1000000x64xf32, #tpu.memory_space<hbm>> -> memref<1000000x64xf32, #tpu.memory_space<hbm>>
      tpu.wait_indirect_dma semaphore(%arg15 : memref<!tpu.dma_semaphore, #tpu.memory_space<semaphore_mem>>) src(%dma_wait3A_58 : memref<1000000x64xf32, #tpu.memory_space<hbm>>) dst(%arg6 : memref<128x64xf32, #tpu.memory_space<vmem>>)
      %mul3A_59 = arith.constant 128 : i32
      %mul3A_60 = arith.muli %add3A_52, %mul3A_59 : i32
      %add3A_61 = arith.addi %mul3A_2, %mul3A_60 : i32
      %dma_start3A_62 = arith.constant 0 : i32
      %dma_start3A_63 = tpu.memref_slice %arg4[%add3A_61, %dma_start3A_62] : memref<819200x64xf32, #tpu.memory_space<hbm>> -> memref<128x64xf32, #tpu.memory_space<hbm>>
      %dma_start3A_64 = arith.constant 0 : i32
      %dma_start3A_65 = tpu.memref_slice %arg4[%add3A_61, %dma_start3A_64] : memref<819200x64xf32, #tpu.memory_space<hbm>> -> memref<128x64xf32, #tpu.memory_space<hbm>>
      tpu.enqueue_dma source(%arg6 : memref<128x64xf32, #tpu.memory_space<vmem>>) target(%dma_start3A_65 : memref<128x64xf32, #tpu.memory_space<hbm>>) target_semaphore(%arg23 : memref<!tpu.dma_semaphore, #tpu.memory_space<semaphore_mem>>)
      %ge3A = arith.constant 2 : i32
      %ge3A_66 = arith.cmpi sge, %add3A_52, %ge3A : i32
      %convert_element_type3A = arith.extui %ge3A_66 : i1 to i32
      %cond3A = arith.constant 0 : i32
      %cond3A_67 = arith.cmpi ne, %convert_element_type3A, %cond3A : i32
      scf.if %cond3A_67 {
        %dma_wait3A_292 = arith.constant 0 : i32
        %dma_wait3A_293 = tpu.memref_slice %arg4[%mul3A_2, %dma_wait3A_292] : memref<819200x64xf32, #tpu.memory_space<hbm>> -> memref<128x64xf32, #tpu.memory_space<hbm>>
        %dma_wait3A_294 = arith.constant 0 : i32
        %dma_wait3A_295 = tpu.memref_slice %arg4[%mul3A_2, %dma_wait3A_294] : memref<819200x64xf32, #tpu.memory_space<hbm>> -> memref<128x64xf32, #tpu.memory_space<hbm>>
        tpu.wait_dma2 semaphore(%arg29 : memref<!tpu.dma_semaphore, #tpu.memory_space<semaphore_mem>>) src(%arg12 : memref<128x64xf32, #tpu.memory_space<vmem>>) dst(%dma_wait3A_295 : memref<128x64xf32, #tpu.memory_space<hbm>>)
      } else {
      }
      %add3A_68 = arith.constant 8 : i32
      %add3A_69 = arith.addi %add3A_52, %add3A_68 : i32
      %sub3A = arith.constant 2 : i32
      %sub3A_70 = arith.subi %add3A_69, %sub3A : i32
      %lt3A = arith.constant 200 : i32
      %lt3A_71 = arith.cmpi slt, %sub3A_70, %lt3A : i32
      %convert_element_type3A_72 = arith.extui %lt3A_71 : i1 to i32
      %cond3A_73 = arith.constant 0 : i32
      %cond3A_74 = arith.cmpi ne, %convert_element_type3A_72, %cond3A_73 : i32
      scf.if %cond3A_74 {
        %add3A_292 = arith.constant 8 : i32
        %add3A_293 = arith.addi %add3A_52, %add3A_292 : i32
        %sub3A_294 = arith.constant 2 : i32
        %sub3A_295 = arith.subi %add3A_293, %sub3A_294 : i32
        %mul3A_296 = arith.constant 128 : i32
        %mul3A_297 = arith.muli %sub3A_295, %mul3A_296 : i32
        %dma_start3A_298 = tpu.memref_slice %arg5[%mul3A_297] : memref<25600xi32, #tpu.memory_space<vmem>> -> memref<128xi32, #tpu.memory_space<vmem>>
        %dma_start3A_299 = arith.constant 0 : i32
        %dma_start3A_300 = arith.constant 0 : i32
        %dma_start3A_301 = tpu.memref_slice %arg3[%dma_start3A_299, %dma_start3A_300] : memref<1000000x64xf32, #tpu.memory_space<hbm>> -> memref<1000000x64xf32, #tpu.memory_space<hbm>>
        tpu.enqueue_indirect_dma source(%dma_start3A_301 : memref<1000000x64xf32, #tpu.memory_space<hbm>>) target(%arg12 : memref<128x64xf32, #tpu.memory_space<vmem>>) offsets(%dma_start3A_298 : memref<128xi32, #tpu.memory_space<vmem>>) semaphore(%arg21 : memref<!tpu.dma_semaphore, #tpu.memory_space<semaphore_mem>>)
      } else {
      }
      %mul3A_75 = arith.constant 8 : i32
      %mul3A_76 = arith.muli %mul3A_75, %scan3A_48 : i32
      %add3A_77 = arith.constant 1 : i32
      %add3A_78 = arith.addi %mul3A_76, %add3A_77 : i32
      %mul3A_79 = arith.constant 128 : i32
      %mul3A_80 = arith.muli %add3A_78, %mul3A_79 : i32
      %dma_wait3A_81 = tpu.memref_slice %arg5[%mul3A_80] : memref<25600xi32, #tpu.memory_space<vmem>> -> memref<128xi32, #tpu.memory_space<vmem>>
      %dma_wait3A_82 = arith.constant 0 : i32
      %dma_wait3A_83 = arith.constant 0 : i32
      %dma_wait3A_84 = tpu.memref_slice %arg3[%dma_wait3A_82, %dma_wait3A_83] : memref<1000000x64xf32, #tpu.memory_space<hbm>> -> memref<1000000x64xf32, #tpu.memory_space<hbm>>
      tpu.wait_indirect_dma semaphore(%arg16 : memref<!tpu.dma_semaphore, #tpu.memory_space<semaphore_mem>>) src(%dma_wait3A_84 : memref<1000000x64xf32, #tpu.memory_space<hbm>>) dst(%arg7 : memref<128x64xf32, #tpu.memory_space<vmem>>)
      %mul3A_85 = arith.constant 128 : i32
      %mul3A_86 = arith.muli %add3A_78, %mul3A_85 : i32
      %add3A_87 = arith.addi %mul3A_2, %mul3A_86 : i32
      %dma_start3A_88 = arith.constant 0 : i32
      %dma_start3A_89 = tpu.memref_slice %arg4[%add3A_87, %dma_start3A_88] : memref<819200x64xf32, #tpu.memory_space<hbm>> -> memref<128x64xf32, #tpu.memory_space<hbm>>
      %dma_start3A_90 = arith.constant 0 : i32
      %dma_start3A_91 = tpu.memref_slice %arg4[%add3A_87, %dma_start3A_90] : memref<819200x64xf32, #tpu.memory_space<hbm>> -> memref<128x64xf32, #tpu.memory_space<hbm>>
      tpu.enqueue_dma source(%arg7 : memref<128x64xf32, #tpu.memory_space<vmem>>) target(%dma_start3A_91 : memref<128x64xf32, #tpu.memory_space<hbm>>) target_semaphore(%arg24 : memref<!tpu.dma_semaphore, #tpu.memory_space<semaphore_mem>>)
      %ge3A_92 = arith.constant 2 : i32
      %ge3A_93 = arith.cmpi sge, %add3A_78, %ge3A_92 : i32
      %convert_element_type3A_94 = arith.extui %ge3A_93 : i1 to i32
      %cond3A_95 = arith.constant 0 : i32
      %cond3A_96 = arith.cmpi ne, %convert_element_type3A_94, %cond3A_95 : i32
      scf.if %cond3A_96 {
        %dma_wait3A_292 = arith.constant 0 : i32
        %dma_wait3A_293 = tpu.memref_slice %arg4[%mul3A_2, %dma_wait3A_292] : memref<819200x64xf32, #tpu.memory_space<hbm>> -> memref<128x64xf32, #tpu.memory_space<hbm>>
        %dma_wait3A_294 = arith.constant 0 : i32
        %dma_wait3A_295 = tpu.memref_slice %arg4[%mul3A_2, %dma_wait3A_294] : memref<819200x64xf32, #tpu.memory_space<hbm>> -> memref<128x64xf32, #tpu.memory_space<hbm>>
        tpu.wait_dma2 semaphore(%arg30 : memref<!tpu.dma_semaphore, #tpu.memory_space<semaphore_mem>>) src(%arg13 : memref<128x64xf32, #tpu.memory_space<vmem>>) dst(%dma_wait3A_295 : memref<128x64xf32, #tpu.memory_space<hbm>>)
      } else {
      }
      %add3A_97 = arith.constant 8 : i32
      %add3A_98 = arith.addi %add3A_78, %add3A_97 : i32
      %sub3A_99 = arith.constant 2 : i32
      %sub3A_100 = arith.subi %add3A_98, %sub3A_99 : i32
      %lt3A_101 = arith.constant 200 : i32
      %lt3A_102 = arith.cmpi slt, %sub3A_100, %lt3A_101 : i32
      %convert_element_type3A_103 = arith.extui %lt3A_102 : i1 to i32
      %cond3A_104 = arith.constant 0 : i32
      %cond3A_105 = arith.cmpi ne, %convert_element_type3A_103, %cond3A_104 : i32
      scf.if %cond3A_105 {
        %add3A_292 = arith.constant 8 : i32
        %add3A_293 = arith.addi %add3A_78, %add3A_292 : i32
        %sub3A_294 = arith.constant 2 : i32
        %sub3A_295 = arith.subi %add3A_293, %sub3A_294 : i32
        %mul3A_296 = arith.constant 128 : i32
        %mul3A_297 = arith.muli %sub3A_295, %mul3A_296 : i32
        %dma_start3A_298 = tpu.memref_slice %arg5[%mul3A_297] : memref<25600xi32, #tpu.memory_space<vmem>> -> memref<128xi32, #tpu.memory_space<vmem>>
        %dma_start3A_299 = arith.constant 0 : i32
        %dma_start3A_300 = arith.constant 0 : i32
        %dma_start3A_301 = tpu.memref_slice %arg3[%dma_start3A_299, %dma_start3A_300] : memref<1000000x64xf32, #tpu.memory_space<hbm>> -> memref<1000000x64xf32, #tpu.memory_space<hbm>>
        tpu.enqueue_indirect_dma source(%dma_start3A_301 : memref<1000000x64xf32, #tpu.memory_space<hbm>>) target(%arg13 : memref<128x64xf32, #tpu.memory_space<vmem>>) offsets(%dma_start3A_298 : memref<128xi32, #tpu.memory_space<vmem>>) semaphore(%arg22 : memref<!tpu.dma_semaphore, #tpu.memory_space<semaphore_mem>>)
      } else {
      }
      %mul3A_106 = arith.constant 8 : i32
      %mul3A_107 = arith.muli %mul3A_106, %scan3A_48 : i32
      %add3A_108 = arith.constant 2 : i32
      %add3A_109 = arith.addi %mul3A_107, %add3A_108 : i32
      %mul3A_110 = arith.constant 128 : i32
      %mul3A_111 = arith.muli %add3A_109, %mul3A_110 : i32
      %dma_wait3A_112 = tpu.memref_slice %arg5[%mul3A_111] : memref<25600xi32, #tpu.memory_space<vmem>> -> memref<128xi32, #tpu.memory_space<vmem>>
      %dma_wait3A_113 = arith.constant 0 : i32
      %dma_wait3A_114 = arith.constant 0 : i32
      %dma_wait3A_115 = tpu.memref_slice %arg3[%dma_wait3A_113, %dma_wait3A_114] : memref<1000000x64xf32, #tpu.memory_space<hbm>> -> memref<1000000x64xf32, #tpu.memory_space<hbm>>
      tpu.wait_indirect_dma semaphore(%arg17 : memref<!tpu.dma_semaphore, #tpu.memory_space<semaphore_mem>>) src(%dma_wait3A_115 : memref<1000000x64xf32, #tpu.memory_space<hbm>>) dst(%arg8 : memref<128x64xf32, #tpu.memory_space<vmem>>)
      %mul3A_116 = arith.constant 128 : i32
      %mul3A_117 = arith.muli %add3A_109, %mul3A_116 : i32
      %add3A_118 = arith.addi %mul3A_2, %mul3A_117 : i32
      %dma_start3A_119 = arith.constant 0 : i32
      %dma_start3A_120 = tpu.memref_slice %arg4[%add3A_118, %dma_start3A_119] : memref<819200x64xf32, #tpu.memory_space<hbm>> -> memref<128x64xf32, #tpu.memory_space<hbm>>
      %dma_start3A_121 = arith.constant 0 : i32
      %dma_start3A_122 = tpu.memref_slice %arg4[%add3A_118, %dma_start3A_121] : memref<819200x64xf32, #tpu.memory_space<hbm>> -> memref<128x64xf32, #tpu.memory_space<hbm>>
      tpu.enqueue_dma source(%arg8 : memref<128x64xf32, #tpu.memory_space<vmem>>) target(%dma_start3A_122 : memref<128x64xf32, #tpu.memory_space<hbm>>) target_semaphore(%arg25 : memref<!tpu.dma_semaphore, #tpu.memory_space<semaphore_mem>>)
      %ge3A_123 = arith.constant 2 : i32
      %ge3A_124 = arith.cmpi sge, %add3A_109, %ge3A_123 : i32
      %convert_element_type3A_125 = arith.extui %ge3A_124 : i1 to i32
      %cond3A_126 = arith.constant 0 : i32
      %cond3A_127 = arith.cmpi ne, %convert_element_type3A_125, %cond3A_126 : i32
      scf.if %cond3A_127 {
        %dma_wait3A_292 = arith.constant 0 : i32
        %dma_wait3A_293 = tpu.memref_slice %arg4[%mul3A_2, %dma_wait3A_292] : memref<819200x64xf32, #tpu.memory_space<hbm>> -> memref<128x64xf32, #tpu.memory_space<hbm>>
        %dma_wait3A_294 = arith.constant 0 : i32
        %dma_wait3A_295 = tpu.memref_slice %arg4[%mul3A_2, %dma_wait3A_294] : memref<819200x64xf32, #tpu.memory_space<hbm>> -> memref<128x64xf32, #tpu.memory_space<hbm>>
        tpu.wait_dma2 semaphore(%arg23 : memref<!tpu.dma_semaphore, #tpu.memory_space<semaphore_mem>>) src(%arg6 : memref<128x64xf32, #tpu.memory_space<vmem>>) dst(%dma_wait3A_295 : memref<128x64xf32, #tpu.memory_space<hbm>>)
      } else {
      }
      %add3A_128 = arith.constant 8 : i32
      %add3A_129 = arith.addi %add3A_109, %add3A_128 : i32
      %sub3A_130 = arith.constant 2 : i32
      %sub3A_131 = arith.subi %add3A_129, %sub3A_130 : i32
      %lt3A_132 = arith.constant 200 : i32
      %lt3A_133 = arith.cmpi slt, %sub3A_131, %lt3A_132 : i32
      %convert_element_type3A_134 = arith.extui %lt3A_133 : i1 to i32
      %cond3A_135 = arith.constant 0 : i32
      %cond3A_136 = arith.cmpi ne, %convert_element_type3A_134, %cond3A_135 : i32
      scf.if %cond3A_136 {
        %add3A_292 = arith.constant 8 : i32
        %add3A_293 = arith.addi %add3A_109, %add3A_292 : i32
        %sub3A_294 = arith.constant 2 : i32
        %sub3A_295 = arith.subi %add3A_293, %sub3A_294 : i32
        %mul3A_296 = arith.constant 128 : i32
        %mul3A_297 = arith.muli %sub3A_295, %mul3A_296 : i32
        %dma_start3A_298 = tpu.memref_slice %arg5[%mul3A_297] : memref<25600xi32, #tpu.memory_space<vmem>> -> memref<128xi32, #tpu.memory_space<vmem>>
        %dma_start3A_299 = arith.constant 0 : i32
        %dma_start3A_300 = arith.constant 0 : i32
        %dma_start3A_301 = tpu.memref_slice %arg3[%dma_start3A_299, %dma_start3A_300] : memref<1000000x64xf32, #tpu.memory_space<hbm>> -> memref<1000000x64xf32, #tpu.memory_space<hbm>>
        tpu.enqueue_indirect_dma source(%dma_start3A_301 : memref<1000000x64xf32, #tpu.memory_space<hbm>>) target(%arg6 : memref<128x64xf32, #tpu.memory_space<vmem>>) offsets(%dma_start3A_298 : memref<128xi32, #tpu.memory_space<vmem>>) semaphore(%arg15 : memref<!tpu.dma_semaphore, #tpu.memory_space<semaphore_mem>>)
      } else {
      }
      %mul3A_137 = arith.constant 8 : i32
      %mul3A_138 = arith.muli %mul3A_137, %scan3A_48 : i32
      %add3A_139 = arith.constant 3 : i32
      %add3A_140 = arith.addi %mul3A_138, %add3A_139 : i32
      %mul3A_141 = arith.constant 128 : i32
      %mul3A_142 = arith.muli %add3A_140, %mul3A_141 : i32
      %dma_wait3A_143 = tpu.memref_slice %arg5[%mul3A_142] : memref<25600xi32, #tpu.memory_space<vmem>> -> memref<128xi32, #tpu.memory_space<vmem>>
      %dma_wait3A_144 = arith.constant 0 : i32
      %dma_wait3A_145 = arith.constant 0 : i32
      %dma_wait3A_146 = tpu.memref_slice %arg3[%dma_wait3A_144, %dma_wait3A_145] : memref<1000000x64xf32, #tpu.memory_space<hbm>> -> memref<1000000x64xf32, #tpu.memory_space<hbm>>
      tpu.wait_indirect_dma semaphore(%arg18 : memref<!tpu.dma_semaphore, #tpu.memory_space<semaphore_mem>>) src(%dma_wait3A_146 : memref<1000000x64xf32, #tpu.memory_space<hbm>>) dst(%arg9 : memref<128x64xf32, #tpu.memory_space<vmem>>)
      %mul3A_147 = arith.constant 128 : i32
      %mul3A_148 = arith.muli %add3A_140, %mul3A_147 : i32
      %add3A_149 = arith.addi %mul3A_2, %mul3A_148 : i32
      %dma_start3A_150 = arith.constant 0 : i32
      %dma_start3A_151 = tpu.memref_slice %arg4[%add3A_149, %dma_start3A_150] : memref<819200x64xf32, #tpu.memory_space<hbm>> -> memref<128x64xf32, #tpu.memory_space<hbm>>
      %dma_start3A_152 = arith.constant 0 : i32
      %dma_start3A_153 = tpu.memref_slice %arg4[%add3A_149, %dma_start3A_152] : memref<819200x64xf32, #tpu.memory_space<hbm>> -> memref<128x64xf32, #tpu.memory_space<hbm>>
      tpu.enqueue_dma source(%arg9 : memref<128x64xf32, #tpu.memory_space<vmem>>) target(%dma_start3A_153 : memref<128x64xf32, #tpu.memory_space<hbm>>) target_semaphore(%arg26 : memref<!tpu.dma_semaphore, #tpu.memory_space<semaphore_mem>>)
      %ge3A_154 = arith.constant 2 : i32
      %ge3A_155 = arith.cmpi sge, %add3A_140, %ge3A_154 : i32
      %convert_element_type3A_156 = arith.extui %ge3A_155 : i1 to i32
      %cond3A_157 = arith.constant 0 : i32
      %cond3A_158 = arith.cmpi ne, %convert_element_type3A_156, %cond3A_157 : i32
      scf.if %cond3A_158 {
        %dma_wait3A_292 = arith.constant 0 : i32
        %dma_wait3A_293 = tpu.memref_slice %arg4[%mul3A_2, %dma_wait3A_292] : memref<819200x64xf32, #tpu.memory_space<hbm>> -> memref<128x64xf32, #tpu.memory_space<hbm>>
        %dma_wait3A_294 = arith.constant 0 : i32
        %dma_wait3A_295 = tpu.memref_slice %arg4[%mul3A_2, %dma_wait3A_294] : memref<819200x64xf32, #tpu.memory_space<hbm>> -> memref<128x64xf32, #tpu.memory_space<hbm>>
        tpu.wait_dma2 semaphore(%arg24 : memref<!tpu.dma_semaphore, #tpu.memory_space<semaphore_mem>>) src(%arg7 : memref<128x64xf32, #tpu.memory_space<vmem>>) dst(%dma_wait3A_295 : memref<128x64xf32, #tpu.memory_space<hbm>>)
      } else {
      }
      %add3A_159 = arith.constant 8 : i32
      %add3A_160 = arith.addi %add3A_140, %add3A_159 : i32
      %sub3A_161 = arith.constant 2 : i32
      %sub3A_162 = arith.subi %add3A_160, %sub3A_161 : i32
      %lt3A_163 = arith.constant 200 : i32
      %lt3A_164 = arith.cmpi slt, %sub3A_162, %lt3A_163 : i32
      %convert_element_type3A_165 = arith.extui %lt3A_164 : i1 to i32
      %cond3A_166 = arith.constant 0 : i32
      %cond3A_167 = arith.cmpi ne, %convert_element_type3A_165, %cond3A_166 : i32
      scf.if %cond3A_167 {
        %add3A_292 = arith.constant 8 : i32
        %add3A_293 = arith.addi %add3A_140, %add3A_292 : i32
        %sub3A_294 = arith.constant 2 : i32
        %sub3A_295 = arith.subi %add3A_293, %sub3A_294 : i32
        %mul3A_296 = arith.constant 128 : i32
        %mul3A_297 = arith.muli %sub3A_295, %mul3A_296 : i32
        %dma_start3A_298 = tpu.memref_slice %arg5[%mul3A_297] : memref<25600xi32, #tpu.memory_space<vmem>> -> memref<128xi32, #tpu.memory_space<vmem>>
        %dma_start3A_299 = arith.constant 0 : i32
        %dma_start3A_300 = arith.constant 0 : i32
        %dma_start3A_301 = tpu.memref_slice %arg3[%dma_start3A_299, %dma_start3A_300] : memref<1000000x64xf32, #tpu.memory_space<hbm>> -> memref<1000000x64xf32, #tpu.memory_space<hbm>>
        tpu.enqueue_indirect_dma source(%dma_start3A_301 : memref<1000000x64xf32, #tpu.memory_space<hbm>>) target(%arg7 : memref<128x64xf32, #tpu.memory_space<vmem>>) offsets(%dma_start3A_298 : memref<128xi32, #tpu.memory_space<vmem>>) semaphore(%arg16 : memref<!tpu.dma_semaphore, #tpu.memory_space<semaphore_mem>>)
      } else {
      }
      %mul3A_168 = arith.constant 8 : i32
      %mul3A_169 = arith.muli %mul3A_168, %scan3A_48 : i32
      %add3A_170 = arith.constant 4 : i32
      %add3A_171 = arith.addi %mul3A_169, %add3A_170 : i32
      %mul3A_172 = arith.constant 128 : i32
      %mul3A_173 = arith.muli %add3A_171, %mul3A_172 : i32
      %dma_wait3A_174 = tpu.memref_slice %arg5[%mul3A_173] : memref<25600xi32, #tpu.memory_space<vmem>> -> memref<128xi32, #tpu.memory_space<vmem>>
      %dma_wait3A_175 = arith.constant 0 : i32
      %dma_wait3A_176 = arith.constant 0 : i32
      %dma_wait3A_177 = tpu.memref_slice %arg3[%dma_wait3A_175, %dma_wait3A_176] : memref<1000000x64xf32, #tpu.memory_space<hbm>> -> memref<1000000x64xf32, #tpu.memory_space<hbm>>
      tpu.wait_indirect_dma semaphore(%arg19 : memref<!tpu.dma_semaphore, #tpu.memory_space<semaphore_mem>>) src(%dma_wait3A_177 : memref<1000000x64xf32, #tpu.memory_space<hbm>>) dst(%arg10 : memref<128x64xf32, #tpu.memory_space<vmem>>)
      %mul3A_178 = arith.constant 128 : i32
      %mul3A_179 = arith.muli %add3A_171, %mul3A_178 : i32
      %add3A_180 = arith.addi %mul3A_2, %mul3A_179 : i32
      %dma_start3A_181 = arith.constant 0 : i32
      %dma_start3A_182 = tpu.memref_slice %arg4[%add3A_180, %dma_start3A_181] : memref<819200x64xf32, #tpu.memory_space<hbm>> -> memref<128x64xf32, #tpu.memory_space<hbm>>
      %dma_start3A_183 = arith.constant 0 : i32
      %dma_start3A_184 = tpu.memref_slice %arg4[%add3A_180, %dma_start3A_183] : memref<819200x64xf32, #tpu.memory_space<hbm>> -> memref<128x64xf32, #tpu.memory_space<hbm>>
      tpu.enqueue_dma source(%arg10 : memref<128x64xf32, #tpu.memory_space<vmem>>) target(%dma_start3A_184 : memref<128x64xf32, #tpu.memory_space<hbm>>) target_semaphore(%arg27 : memref<!tpu.dma_semaphore, #tpu.memory_space<semaphore_mem>>)
      %ge3A_185 = arith.constant 2 : i32
      %ge3A_186 = arith.cmpi sge, %add3A_171, %ge3A_185 : i32
      %convert_element_type3A_187 = arith.extui %ge3A_186 : i1 to i32
      %cond3A_188 = arith.constant 0 : i32
      %cond3A_189 = arith.cmpi ne, %convert_element_type3A_187, %cond3A_188 : i32
      scf.if %cond3A_189 {
        %dma_wait3A_292 = arith.constant 0 : i32
        %dma_wait3A_293 = tpu.memref_slice %arg4[%mul3A_2, %dma_wait3A_292] : memref<819200x64xf32, #tpu.memory_space<hbm>> -> memref<128x64xf32, #tpu.memory_space<hbm>>
        %dma_wait3A_294 = arith.constant 0 : i32
        %dma_wait3A_295 = tpu.memref_slice %arg4[%mul3A_2, %dma_wait3A_294] : memref<819200x64xf32, #tpu.memory_space<hbm>> -> memref<128x64xf32, #tpu.memory_space<hbm>>
        tpu.wait_dma2 semaphore(%arg25 : memref<!tpu.dma_semaphore, #tpu.memory_space<semaphore_mem>>) src(%arg8 : memref<128x64xf32, #tpu.memory_space<vmem>>) dst(%dma_wait3A_295 : memref<128x64xf32, #tpu.memory_space<hbm>>)
      } else {
      }
      %add3A_190 = arith.constant 8 : i32
      %add3A_191 = arith.addi %add3A_171, %add3A_190 : i32
      %sub3A_192 = arith.constant 2 : i32
      %sub3A_193 = arith.subi %add3A_191, %sub3A_192 : i32
      %lt3A_194 = arith.constant 200 : i32
      %lt3A_195 = arith.cmpi slt, %sub3A_193, %lt3A_194 : i32
      %convert_element_type3A_196 = arith.extui %lt3A_195 : i1 to i32
      %cond3A_197 = arith.constant 0 : i32
      %cond3A_198 = arith.cmpi ne, %convert_element_type3A_196, %cond3A_197 : i32
      scf.if %cond3A_198 {
        %add3A_292 = arith.constant 8 : i32
        %add3A_293 = arith.addi %add3A_171, %add3A_292 : i32
        %sub3A_294 = arith.constant 2 : i32
        %sub3A_295 = arith.subi %add3A_293, %sub3A_294 : i32
        %mul3A_296 = arith.constant 128 : i32
        %mul3A_297 = arith.muli %sub3A_295, %mul3A_296 : i32
        %dma_start3A_298 = tpu.memref_slice %arg5[%mul3A_297] : memref<25600xi32, #tpu.memory_space<vmem>> -> memref<128xi32, #tpu.memory_space<vmem>>
        %dma_start3A_299 = arith.constant 0 : i32
        %dma_start3A_300 = arith.constant 0 : i32
        %dma_start3A_301 = tpu.memref_slice %arg3[%dma_start3A_299, %dma_start3A_300] : memref<1000000x64xf32, #tpu.memory_space<hbm>> -> memref<1000000x64xf32, #tpu.memory_space<hbm>>
        tpu.enqueue_indirect_dma source(%dma_start3A_301 : memref<1000000x64xf32, #tpu.memory_space<hbm>>) target(%arg8 : memref<128x64xf32, #tpu.memory_space<vmem>>) offsets(%dma_start3A_298 : memref<128xi32, #tpu.memory_space<vmem>>) semaphore(%arg17 : memref<!tpu.dma_semaphore, #tpu.memory_space<semaphore_mem>>)
      } else {
      }
      %mul3A_199 = arith.constant 8 : i32
      %mul3A_200 = arith.muli %mul3A_199, %scan3A_48 : i32
      %add3A_201 = arith.constant 5 : i32
      %add3A_202 = arith.addi %mul3A_200, %add3A_201 : i32
      %mul3A_203 = arith.constant 128 : i32
      %mul3A_204 = arith.muli %add3A_202, %mul3A_203 : i32
      %dma_wait3A_205 = tpu.memref_slice %arg5[%mul3A_204] : memref<25600xi32, #tpu.memory_space<vmem>> -> memref<128xi32, #tpu.memory_space<vmem>>
      %dma_wait3A_206 = arith.constant 0 : i32
      %dma_wait3A_207 = arith.constant 0 : i32
      %dma_wait3A_208 = tpu.memref_slice %arg3[%dma_wait3A_206, %dma_wait3A_207] : memref<1000000x64xf32, #tpu.memory_space<hbm>> -> memref<1000000x64xf32, #tpu.memory_space<hbm>>
      tpu.wait_indirect_dma semaphore(%arg20 : memref<!tpu.dma_semaphore, #tpu.memory_space<semaphore_mem>>) src(%dma_wait3A_208 : memref<1000000x64xf32, #tpu.memory_space<hbm>>) dst(%arg11 : memref<128x64xf32, #tpu.memory_space<vmem>>)
      %mul3A_209 = arith.constant 128 : i32
      %mul3A_210 = arith.muli %add3A_202, %mul3A_209 : i32
      %add3A_211 = arith.addi %mul3A_2, %mul3A_210 : i32
      %dma_start3A_212 = arith.constant 0 : i32
      %dma_start3A_213 = tpu.memref_slice %arg4[%add3A_211, %dma_start3A_212] : memref<819200x64xf32, #tpu.memory_space<hbm>> -> memref<128x64xf32, #tpu.memory_space<hbm>>
      %dma_start3A_214 = arith.constant 0 : i32
      %dma_start3A_215 = tpu.memref_slice %arg4[%add3A_211, %dma_start3A_214] : memref<819200x64xf32, #tpu.memory_space<hbm>> -> memref<128x64xf32, #tpu.memory_space<hbm>>
      tpu.enqueue_dma source(%arg11 : memref<128x64xf32, #tpu.memory_space<vmem>>) target(%dma_start3A_215 : memref<128x64xf32, #tpu.memory_space<hbm>>) target_semaphore(%arg28 : memref<!tpu.dma_semaphore, #tpu.memory_space<semaphore_mem>>)
      %ge3A_216 = arith.constant 2 : i32
      %ge3A_217 = arith.cmpi sge, %add3A_202, %ge3A_216 : i32
      %convert_element_type3A_218 = arith.extui %ge3A_217 : i1 to i32
      %cond3A_219 = arith.constant 0 : i32
      %cond3A_220 = arith.cmpi ne, %convert_element_type3A_218, %cond3A_219 : i32
      scf.if %cond3A_220 {
        %dma_wait3A_292 = arith.constant 0 : i32
        %dma_wait3A_293 = tpu.memref_slice %arg4[%mul3A_2, %dma_wait3A_292] : memref<819200x64xf32, #tpu.memory_space<hbm>> -> memref<128x64xf32, #tpu.memory_space<hbm>>
        %dma_wait3A_294 = arith.constant 0 : i32
        %dma_wait3A_295 = tpu.memref_slice %arg4[%mul3A_2, %dma_wait3A_294] : memref<819200x64xf32, #tpu.memory_space<hbm>> -> memref<128x64xf32, #tpu.memory_space<hbm>>
        tpu.wait_dma2 semaphore(%arg26 : memref<!tpu.dma_semaphore, #tpu.memory_space<semaphore_mem>>) src(%arg9 : memref<128x64xf32, #tpu.memory_space<vmem>>) dst(%dma_wait3A_295 : memref<128x64xf32, #tpu.memory_space<hbm>>)
      } else {
      }
      %add3A_221 = arith.constant 8 : i32
      %add3A_222 = arith.addi %add3A_202, %add3A_221 : i32
      %sub3A_223 = arith.constant 2 : i32
      %sub3A_224 = arith.subi %add3A_222, %sub3A_223 : i32
      %lt3A_225 = arith.constant 200 : i32
      %lt3A_226 = arith.cmpi slt, %sub3A_224, %lt3A_225 : i32
      %convert_element_type3A_227 = arith.extui %lt3A_226 : i1 to i32
      %cond3A_228 = arith.constant 0 : i32
      %cond3A_229 = arith.cmpi ne, %convert_element_type3A_227, %cond3A_228 : i32
      scf.if %cond3A_229 {
        %add3A_292 = arith.constant 8 : i32
        %add3A_293 = arith.addi %add3A_202, %add3A_292 : i32
        %sub3A_294 = arith.constant 2 : i32
        %sub3A_295 = arith.subi %add3A_293, %sub3A_294 : i32
        %mul3A_296 = arith.constant 128 : i32
        %mul3A_297 = arith.muli %sub3A_295, %mul3A_296 : i32
        %dma_start3A_298 = tpu.memref_slice %arg5[%mul3A_297] : memref<25600xi32, #tpu.memory_space<vmem>> -> memref<128xi32, #tpu.memory_space<vmem>>
        %dma_start3A_299 = arith.constant 0 : i32
        %dma_start3A_300 = arith.constant 0 : i32
        %dma_start3A_301 = tpu.memref_slice %arg3[%dma_start3A_299, %dma_start3A_300] : memref<1000000x64xf32, #tpu.memory_space<hbm>> -> memref<1000000x64xf32, #tpu.memory_space<hbm>>
        tpu.enqueue_indirect_dma source(%dma_start3A_301 : memref<1000000x64xf32, #tpu.memory_space<hbm>>) target(%arg9 : memref<128x64xf32, #tpu.memory_space<vmem>>) offsets(%dma_start3A_298 : memref<128xi32, #tpu.memory_space<vmem>>) semaphore(%arg18 : memref<!tpu.dma_semaphore, #tpu.memory_space<semaphore_mem>>)
      } else {
      }
      %mul3A_230 = arith.constant 8 : i32
      %mul3A_231 = arith.muli %mul3A_230, %scan3A_48 : i32
      %add3A_232 = arith.constant 6 : i32
      %add3A_233 = arith.addi %mul3A_231, %add3A_232 : i32
      %mul3A_234 = arith.constant 128 : i32
      %mul3A_235 = arith.muli %add3A_233, %mul3A_234 : i32
      %dma_wait3A_236 = tpu.memref_slice %arg5[%mul3A_235] : memref<25600xi32, #tpu.memory_space<vmem>> -> memref<128xi32, #tpu.memory_space<vmem>>
      %dma_wait3A_237 = arith.constant 0 : i32
      %dma_wait3A_238 = arith.constant 0 : i32
      %dma_wait3A_239 = tpu.memref_slice %arg3[%dma_wait3A_237, %dma_wait3A_238] : memref<1000000x64xf32, #tpu.memory_space<hbm>> -> memref<1000000x64xf32, #tpu.memory_space<hbm>>
      tpu.wait_indirect_dma semaphore(%arg21 : memref<!tpu.dma_semaphore, #tpu.memory_space<semaphore_mem>>) src(%dma_wait3A_239 : memref<1000000x64xf32, #tpu.memory_space<hbm>>) dst(%arg12 : memref<128x64xf32, #tpu.memory_space<vmem>>)
      %mul3A_240 = arith.constant 128 : i32
      %mul3A_241 = arith.muli %add3A_233, %mul3A_240 : i32
      %add3A_242 = arith.addi %mul3A_2, %mul3A_241 : i32
      %dma_start3A_243 = arith.constant 0 : i32
      %dma_start3A_244 = tpu.memref_slice %arg4[%add3A_242, %dma_start3A_243] : memref<819200x64xf32, #tpu.memory_space<hbm>> -> memref<128x64xf32, #tpu.memory_space<hbm>>
      %dma_start3A_245 = arith.constant 0 : i32
      %dma_start3A_246 = tpu.memref_slice %arg4[%add3A_242, %dma_start3A_245] : memref<819200x64xf32, #tpu.memory_space<hbm>> -> memref<128x64xf32, #tpu.memory_space<hbm>>
      tpu.enqueue_dma source(%arg12 : memref<128x64xf32, #tpu.memory_space<vmem>>) target(%dma_start3A_246 : memref<128x64xf32, #tpu.memory_space<hbm>>) target_semaphore(%arg29 : memref<!tpu.dma_semaphore, #tpu.memory_space<semaphore_mem>>)
      %ge3A_247 = arith.constant 2 : i32
      %ge3A_248 = arith.cmpi sge, %add3A_233, %ge3A_247 : i32
      %convert_element_type3A_249 = arith.extui %ge3A_248 : i1 to i32
      %cond3A_250 = arith.constant 0 : i32
      %cond3A_251 = arith.cmpi ne, %convert_element_type3A_249, %cond3A_250 : i32
      scf.if %cond3A_251 {
        %dma_wait3A_292 = arith.constant 0 : i32
        %dma_wait3A_293 = tpu.memref_slice %arg4[%mul3A_2, %dma_wait3A_292] : memref<819200x64xf32, #tpu.memory_space<hbm>> -> memref<128x64xf32, #tpu.memory_space<hbm>>
        %dma_wait3A_294 = arith.constant 0 : i32
        %dma_wait3A_295 = tpu.memref_slice %arg4[%mul3A_2, %dma_wait3A_294] : memref<819200x64xf32, #tpu.memory_space<hbm>> -> memref<128x64xf32, #tpu.memory_space<hbm>>
        tpu.wait_dma2 semaphore(%arg27 : memref<!tpu.dma_semaphore, #tpu.memory_space<semaphore_mem>>) src(%arg10 : memref<128x64xf32, #tpu.memory_space<vmem>>) dst(%dma_wait3A_295 : memref<128x64xf32, #tpu.memory_space<hbm>>)
      } else {
      }
      %add3A_252 = arith.constant 8 : i32
      %add3A_253 = arith.addi %add3A_233, %add3A_252 : i32
      %sub3A_254 = arith.constant 2 : i32
      %sub3A_255 = arith.subi %add3A_253, %sub3A_254 : i32
      %lt3A_256 = arith.constant 200 : i32
      %lt3A_257 = arith.cmpi slt, %sub3A_255, %lt3A_256 : i32
      %convert_element_type3A_258 = arith.extui %lt3A_257 : i1 to i32
      %cond3A_259 = arith.constant 0 : i32
      %cond3A_260 = arith.cmpi ne, %convert_element_type3A_258, %cond3A_259 : i32
      scf.if %cond3A_260 {
        %add3A_292 = arith.constant 8 : i32
        %add3A_293 = arith.addi %add3A_233, %add3A_292 : i32
        %sub3A_294 = arith.constant 2 : i32
        %sub3A_295 = arith.subi %add3A_293, %sub3A_294 : i32
        %mul3A_296 = arith.constant 128 : i32
        %mul3A_297 = arith.muli %sub3A_295, %mul3A_296 : i32
        %dma_start3A_298 = tpu.memref_slice %arg5[%mul3A_297] : memref<25600xi32, #tpu.memory_space<vmem>> -> memref<128xi32, #tpu.memory_space<vmem>>
        %dma_start3A_299 = arith.constant 0 : i32
        %dma_start3A_300 = arith.constant 0 : i32
        %dma_start3A_301 = tpu.memref_slice %arg3[%dma_start3A_299, %dma_start3A_300] : memref<1000000x64xf32, #tpu.memory_space<hbm>> -> memref<1000000x64xf32, #tpu.memory_space<hbm>>
        tpu.enqueue_indirect_dma source(%dma_start3A_301 : memref<1000000x64xf32, #tpu.memory_space<hbm>>) target(%arg10 : memref<128x64xf32, #tpu.memory_space<vmem>>) offsets(%dma_start3A_298 : memref<128xi32, #tpu.memory_space<vmem>>) semaphore(%arg19 : memref<!tpu.dma_semaphore, #tpu.memory_space<semaphore_mem>>)
      } else {
      }
      %mul3A_261 = arith.constant 8 : i32
      %mul3A_262 = arith.muli %mul3A_261, %scan3A_48 : i32
      %add3A_263 = arith.constant 7 : i32
      %add3A_264 = arith.addi %mul3A_262, %add3A_263 : i32
      %mul3A_265 = arith.constant 128 : i32
      %mul3A_266 = arith.muli %add3A_264, %mul3A_265 : i32
      %dma_wait3A_267 = tpu.memref_slice %arg5[%mul3A_266] : memref<25600xi32, #tpu.memory_space<vmem>> -> memref<128xi32, #tpu.memory_space<vmem>>
      %dma_wait3A_268 = arith.constant 0 : i32
      %dma_wait3A_269 = arith.constant 0 : i32
      %dma_wait3A_270 = tpu.memref_slice %arg3[%dma_wait3A_268, %dma_wait3A_269] : memref<1000000x64xf32, #tpu.memory_space<hbm>> -> memref<1000000x64xf32, #tpu.memory_space<hbm>>
      tpu.wait_indirect_dma semaphore(%arg22 : memref<!tpu.dma_semaphore, #tpu.memory_space<semaphore_mem>>) src(%dma_wait3A_270 : memref<1000000x64xf32, #tpu.memory_space<hbm>>) dst(%arg13 : memref<128x64xf32, #tpu.memory_space<vmem>>)
      %mul3A_271 = arith.constant 128 : i32
      %mul3A_272 = arith.muli %add3A_264, %mul3A_271 : i32
      %add3A_273 = arith.addi %mul3A_2, %mul3A_272 : i32
      %dma_start3A_274 = arith.constant 0 : i32
      %dma_start3A_275 = tpu.memref_slice %arg4[%add3A_273, %dma_start3A_274] : memref<819200x64xf32, #tpu.memory_space<hbm>> -> memref<128x64xf32, #tpu.memory_space<hbm>>
      %dma_start3A_276 = arith.constant 0 : i32
      %dma_start3A_277 = tpu.memref_slice %arg4[%add3A_273, %dma_start3A_276] : memref<819200x64xf32, #tpu.memory_space<hbm>> -> memref<128x64xf32, #tpu.memory_space<hbm>>
      tpu.enqueue_dma source(%arg13 : memref<128x64xf32, #tpu.memory_space<vmem>>) target(%dma_start3A_277 : memref<128x64xf32, #tpu.memory_space<hbm>>) target_semaphore(%arg30 : memref<!tpu.dma_semaphore, #tpu.memory_space<semaphore_mem>>)
      %ge3A_278 = arith.constant 2 : i32
      %ge3A_279 = arith.cmpi sge, %add3A_264, %ge3A_278 : i32
      %convert_element_type3A_280 = arith.extui %ge3A_279 : i1 to i32
      %cond3A_281 = arith.constant 0 : i32
      %cond3A_282 = arith.cmpi ne, %convert_element_type3A_280, %cond3A_281 : i32
      scf.if %cond3A_282 {
        %dma_wait3A_292 = arith.constant 0 : i32
        %dma_wait3A_293 = tpu.memref_slice %arg4[%mul3A_2, %dma_wait3A_292] : memref<819200x64xf32, #tpu.memory_space<hbm>> -> memref<128x64xf32, #tpu.memory_space<hbm>>
        %dma_wait3A_294 = arith.constant 0 : i32
        %dma_wait3A_295 = tpu.memref_slice %arg4[%mul3A_2, %dma_wait3A_294] : memref<819200x64xf32, #tpu.memory_space<hbm>> -> memref<128x64xf32, #tpu.memory_space<hbm>>
        tpu.wait_dma2 semaphore(%arg28 : memref<!tpu.dma_semaphore, #tpu.memory_space<semaphore_mem>>) src(%arg11 : memref<128x64xf32, #tpu.memory_space<vmem>>) dst(%dma_wait3A_295 : memref<128x64xf32, #tpu.memory_space<hbm>>)
      } else {
      }
      %add3A_283 = arith.constant 8 : i32
      %add3A_284 = arith.addi %add3A_264, %add3A_283 : i32
      %sub3A_285 = arith.constant 2 : i32
      %sub3A_286 = arith.subi %add3A_284, %sub3A_285 : i32
      %lt3A_287 = arith.constant 200 : i32
      %lt3A_288 = arith.cmpi slt, %sub3A_286, %lt3A_287 : i32
      %convert_element_type3A_289 = arith.extui %lt3A_288 : i1 to i32
      %cond3A_290 = arith.constant 0 : i32
      %cond3A_291 = arith.cmpi ne, %convert_element_type3A_289, %cond3A_290 : i32
      scf.if %cond3A_291 {
        %add3A_292 = arith.constant 8 : i32
        %add3A_293 = arith.addi %add3A_264, %add3A_292 : i32
        %sub3A_294 = arith.constant 2 : i32
        %sub3A_295 = arith.subi %add3A_293, %sub3A_294 : i32
        %mul3A_296 = arith.constant 128 : i32
        %mul3A_297 = arith.muli %sub3A_295, %mul3A_296 : i32
        %dma_start3A_298 = tpu.memref_slice %arg5[%mul3A_297] : memref<25600xi32, #tpu.memory_space<vmem>> -> memref<128xi32, #tpu.memory_space<vmem>>
        %dma_start3A_299 = arith.constant 0 : i32
        %dma_start3A_300 = arith.constant 0 : i32
        %dma_start3A_301 = tpu.memref_slice %arg3[%dma_start3A_299, %dma_start3A_300] : memref<1000000x64xf32, #tpu.memory_space<hbm>> -> memref<1000000x64xf32, #tpu.memory_space<hbm>>
        tpu.enqueue_indirect_dma source(%dma_start3A_301 : memref<1000000x64xf32, #tpu.memory_space<hbm>>) target(%arg11 : memref<128x64xf32, #tpu.memory_space<vmem>>) offsets(%dma_start3A_298 : memref<128xi32, #tpu.memory_space<vmem>>) semaphore(%arg20 : memref<!tpu.dma_semaphore, #tpu.memory_space<semaphore_mem>>)
      } else {
      }
    }
    %scan3A_39 = arith.constant 25 : i32
    %dma_wait3A_40 = arith.constant 0 : i32
    %dma_wait3A_41 = tpu.memref_slice %arg4[%mul3A_2, %dma_wait3A_40] : memref<819200x64xf32, #tpu.memory_space<hbm>> -> memref<128x64xf32, #tpu.memory_space<hbm>>
    %dma_wait3A_42 = arith.constant 0 : i32
    %dma_wait3A_43 = tpu.memref_slice %arg4[%mul3A_2, %dma_wait3A_42] : memref<819200x64xf32, #tpu.memory_space<hbm>> -> memref<128x64xf32, #tpu.memory_space<hbm>>
    tpu.wait_dma2 semaphore(%arg29 : memref<!tpu.dma_semaphore, #tpu.memory_space<semaphore_mem>>) src(%arg12 : memref<128x64xf32, #tpu.memory_space<vmem>>) dst(%dma_wait3A_43 : memref<128x64xf32, #tpu.memory_space<hbm>>)
    %dma_wait3A_44 = arith.constant 0 : i32
    %dma_wait3A_45 = tpu.memref_slice %arg4[%mul3A_2, %dma_wait3A_44] : memref<819200x64xf32, #tpu.memory_space<hbm>> -> memref<128x64xf32, #tpu.memory_space<hbm>>
    %dma_wait3A_46 = arith.constant 0 : i32
    %dma_wait3A_47 = tpu.memref_slice %arg4[%mul3A_2, %dma_wait3A_46] : memref<819200x64xf32, #tpu.memory_space<hbm>> -> memref<128x64xf32, #tpu.memory_space<hbm>>
    tpu.wait_dma2 semaphore(%arg30 : memref<!tpu.dma_semaphore, #tpu.memory_space<semaphore_mem>>) src(%arg13 : memref<128x64xf32, #tpu.memory_space<vmem>>) dst(%dma_wait3A_47 : memref<128x64xf32, #tpu.memory_space<hbm>>)
    return
  }
}

</mosaic_0001>

<sc_bundles>
// kernel: kernel.3.cloned.1.call-start
scs
__scs_entry_jumppad:
0x0: {  	(pc) =	sbr.rel $0x88, $3  }
0x1: {  	(tag) =	ssettag $0x0;
	lr =	simm.s32 $0x1  }
0x2: {  	[smem:$0x3F9F] =	sst lr;
	_ =	strace $0xD0000000  }
0x3: {  	_ = 	snop  }
0x4: {  	_ = 	snop  }
0x5: {  	_ = 	snop  }
0x6: {  	_ = 	snop  }
0x7: {  	_ = 	snop  }
__scs_overlays_trampoline_lowered:
0x8: {  	[smem:$0x3FAE] =	sst s0  }
0x9: {  	[smem:$0x3FAF] =	sst s1  }
0xa: {  	[smem:$0x3FB0] =	sst s2  }
0xb: {  	[smem:$0x3FB1] =	sst s3  }
0xc: {  	[smem:$0x3FB2] =	sst s4  }
0xd: {  	[smem:$0x3FB3] =	sst s5  }
0xe: {  	[smem:$0x3FB4] =	sst s6  }
0xf: {  	[smem:$0x3FB5] =	sst s7  }
0x10: {  	[smem:$0x3FB6] =	sst s8  }
0x11: {  	[smem:$0x3FB7] =	sst s9;
	s0 =	simm.s32 @!p0 $0x0  }
0x12: {  	s1 =	sld [smem:$0x3F9D];
	s0 =	simm.s32 @p0 $0x1  }
0x13: {  	[smem:$0x3FB8] =	sst s0;
	s0 =	simm.s32 @!p1 $0x0  }
0x14: {  	s2 =	sld [smem:$0x3F9C];
	s0 =	simm.s32 @p1 $0x1  }
0x15: {  	[smem:$0x3FB9] =	sst s0;
	s0 =	simm.s32 @!p2 $0x0  }
0x16: {  	s3 =	sld [smem:$0x3FDB];
	s0 =	simm.s32 @p2 $0x1  }
0x17: {  	s4 =	simm.s32 $0x1BF5;
	[smem:$0x3FBB] =	sst s0  }
0x18: {  	s0 =	sld [smem:$0x3F9E];
	_ =	swait.ge [sflag:s4], $0x0  }
0x19: {  	s7 =	sld [smem:$0x3F9F]  }
0x1a: {  	s8 =	sadd.s32 $0xFFFFE003, lr  }
0x1b: {  	s9 =	sadd.s32 $0xFFFFFEF7, lr;
	s5 =	simm.s32 $0xFFFFFFFF;
	p2 =	slt.u32 s8, $0xFFFFF086  }
0x1c: {  	p1 =	slt.u32 s9, $0xF7A;
	s5 =	simm.s32 @!p2 $0x0  }
0x1d: {  	s5 =	simm.s32 @p1 $0x1;
	p0 =	seq.s32 s7, s2  }
0x1e: {  	s7 =	smul.u32 @!p0 $0xF7A, s2;
	p2 =	seq.s32 @!p0 s5, $0x0  }
0x1f: {  	s9 =	smul.u32 $0xF7A, s1;
	s8 =	simm.s32 @!p0 $0x1BF5;
	p2 =	por !p2, p0  }
0x20: {  	[sflag:s8] =	ssyncset.s32 @!p0 $0xFFFFF086;
	s6 =	sadd.s32 @!p0 s3, s7;
	s7 =	simm.s32 @!p0 $0x108  }
0x21: {  	s3 =	sadd.s32 s3, s9;
	s6 =	sadd.s32 @!p0 $0x88, s6;
	s7 =	simm.s32 @p2 $0x1082  }
0x22: {  	[simem:s7], [sflag:s8] =	dma.local @!p0 [hbm:s6], $0xF7A  }
0x23: {  	s9 =	sor.u32 $0xD0000000, s2;
	s6 =	simm.s32 $0x108;
	_ =	swait.ge @!p0 [sflag:s8], $0x0  }
0x24: {  	s3 =	sadd.s32 $0x88, s3;
	s6 =	simm.s32 @!p1 $0x1082;
	[sflag:s4] =	ssyncset.s32 $0xFFFFF086  }
0x25: {  	[simem:s6], [sflag:s4] =	dma.local [hbm:s3], $0xF7A  }
0x26: {  	[smem:$0x3F9F] =	sst s1;
	(tag) =	ssettag s2;
	_ =	strace s9  }
0x27: {  	s1 =	sld [smem:$0x3FAF]  }
0x28: {  	s2 =	sld [smem:$0x3FB0]  }
0x29: {  	s4 =	sld [smem:$0x3FB2]  }
0x2a: {  	p0 =	seq.s32 s5, $0x0;
	s5 =	sld [smem:$0x3FB3]  }
0x2b: {  	s6 =	sld [smem:$0x3FB4]  }
0x2c: {  	s7 =	sld [smem:$0x3FB5]  }
0x2d: {  	s3 =	simm.s32 $0x108;
	s8 =	sld [smem:$0x3FB6]  }
0x2e: {  	s3 =	simm.s32 @!p0 $0x1082;
	s9 =	sld [smem:$0x3FB7]  }
0x2f: {  	lr =	sadd.s32 s0, s3;
	s0 =	sld [smem:$0x3FAE]  }
0x30: {  	s3 =	sld [smem:$0x3FB1]  }
0x31: {  	[smem:$0x3FBA] =	sst s10  }
0x32: {  	s10 =	sld [smem:$0x3FB8];
	_ =	sdelay $0x3  }
0x33: {  	p0 =	seq.s32 s10, $0x1;
	s10 =	sld [smem:$0x3FBA];
	_ =	sdelay $0x3  }
0x34: {  	[smem:$0x3FBA] =	sst s10  }
0x35: {  	s10 =	sld [smem:$0x3FB9];
	_ =	sdelay $0x3  }
0x36: {  	p1 =	seq.s32 s10, $0x1;
	s10 =	sld [smem:$0x3FBA];
	_ =	sdelay $0x3  }
0x37: {  	[smem:$0x3FBA] =	sst s10  }
0x38: {  	s10 =	sld [smem:$0x3FBB]  }
0x39: {  	_ = 	snop;
	(pc) =	sbr.ind lr, $3  }
0x3a: {  	_ = 	snop  }
0x3b: {  	_ = 	snop  }
0x3c: {  	p2 =	seq.s32 s10, $0x1;
	s10 =	sld [smem:$0x3FBA]  }
0x3d: {  	_ =	shalt  }
0x3e: {  	_ =	shalt  }
0x3f: {  	_ =	shalt  }
0x40: {  	_ =	shalt  }
0x41: {  	_ =	shalt  }
0x42: {  	_ =	shalt  }
0x43: {  	_ =	shalt  }
0x44: {  	_ =	shalt  }
0x45: {  	_ =	shalt  }
0x46: {  	_ =	shalt  }
0x47: {  	_ =	shalt  }
0x48: {  	_ =	shalt  }
0x49: {  	_ =	shalt  }
0x4a: {  	_ =	shalt  }
0x4b: {  	_ =	shalt  }
0x4c: {  	_ =	shalt  }
0x4d: {  	_ =	shalt  }
0x4e: {  	_ =	shalt  }
0x4f: {  	_ =	shalt  }
0x50: {  	_ =	shalt  }
0x51: {  	_ =	shalt  }
0x52: {  	_ =	shalt  }
0x53: {  	_ =	shalt  }
0x54: {  	_ =	shalt  }
0x55: {  	_ =	shalt  }
0x56: {  	_ =	shalt  }
0x57: {  	_ =	shalt  }
0x58: {  	_ =	shalt  }
0x59: {  	_ =	shalt  }
0x5a: {  	_ =	shalt  }
0x5b: {  	_ =	shalt  }
0x5c: {  	_ =	shalt  }
0x5d: {  	_ =	shalt  }
0x5e: {  	_ =	shalt  }
0x5f: {  	_ =	shalt  }
0x60: {  	_ =	shalt  }
0x61: {  	_ =	shalt  }
0x62: {  	_ =	shalt  }
0x63: {  	_ =	shalt  }
0x64: {  	_ =	shalt  }
0x65: {  	_ =	shalt  }
0x66: {  	_ =	shalt  }
0x67: {  	_ =	shalt  }
0x68: {  	_ =	shalt  }
0x69: {  	_ =	shalt  }
0x6a: {  	_ =	shalt  }
0x6b: {  	_ =	shalt  }
0x6c: {  	_ =	shalt  }
0x6d: {  	_ =	shalt  }
0x6e: {  	_ =	shalt  }
0x6f: {  	_ =	shalt  }
0x70: {  	_ =	shalt  }
0x71: {  	_ =	shalt  }
0x72: {  	_ =	shalt  }
0x73: {  	_ =	shalt  }
0x74: {  	_ =	shalt  }
0x75: {  	_ =	shalt  }
0x76: {  	_ =	shalt  }
0x77: {  	_ =	shalt  }
0x78: {  	_ =	shalt  }
0x79: {  	_ =	shalt  }
0x7a: {  	_ =	shalt  }
0x7b: {  	_ =	shalt  }
0x7c: {  	_ =	shalt  }
0x7d: {  	_ =	shalt  }
0x7e: {  	_ =	shalt  }
0x7f: {  	_ =	shalt  }
0x80: {  	_ =	shalt  }
0x81: {  	_ =	shalt  }
0x82: {  	_ =	shalt  }
0x83: {  	_ =	shalt  }
0x84: {  	_ =	shalt  }
0x85: {  	_ =	shalt  }
0x86: {  	_ =	shalt  }
0x87: {  	_ =	shalt  }
.Lfunc_end0:
.L_simem_size_0:
called_computation.1_lowered:
.L_overlay_start_0:
0x88: {  	s2 =	sld [smem:$0x3FD9]  }
0x89: {  	s3 =	sld [smem:$0x3FFE];
	_ =	sdelay $0x1  }
0x8a: {  	s1 =	srdreg.scid  }
0x8b: {  	s0 =	sand.u32 $0x1, s1  }
0x8c: {  	s17 =	sshll.u32 s0, $0xA;
	s2 =	sadd.s32 s3, s2  }
0x8d: {  	s2 =	sadd.s32 s2, s17  }
0x8e: {  	[smem:$0x3FC6] =	sst s2  }
0x8f: {  	_ = 	snop  }
0x90: {  	s2 =	sld [smem:$0x3FD0];
	(tm) =	ssettm $0x1  }
0x91: {  	s18 =	sld [smem:$0x3FFB];
	_ =	sdelay $0x3  }
0x92: {  	_ =	strace s18  }
0x93: {  	s3 =	sld [smem:$0x3FFC];
	_ =	sdelay $0x3  }
0x94: {  	_ =	strace s3  }
0x95: {  	s3 =	sld [smem:$0x3FFD];
	_ =	sdelay $0x3  }
0x96: {  	_ =	strace s3  }
0x97: {  	_ =	strace $0x8FFFFFFF  }
0x98: {  	s19 =	sld [smem:$0x3FDB];
	_ =	sdelay $0x1  }
0x99: {  	s4 =	simm.s32 $_scs_section_size  }
0x9a: {  	s5 =	simm.s32 $_size__tile_overlayer_lowered;
	s6 =	simm.s32 $_tile_overlayer_lowered  }
0x9b: {  	s22 =	simm.s32 $0x1BFF;
	s21 =	sshll.u32 s6, $0x1;
	s3 =	sadd.s32 s4, s19  }
0x9c: {  	s7 =	simm.s32 $0x0;
	s20 =	sshll.u32 s5, $0x1;
	s5 =	sadd.s32 s21, s3  }
0x9d: {  	[timem:s7], [sflag:s22] =	dma.local [hbm:s5], s20  }
0x9e: {  	_ =	swait.ge [sflag:s22], s20  }
0x9f: {  	s4 =	ssub.s32 $0x0, s20;
	[sflag:s22] =	ssyncset.done $0x0  }
0xa0: {  	[sflag:s22] =	ssyncadd.s32 s4;
	_ =	sdelay $0x1  }
0xa1: {  	s23 =	simm.s32 $0x1B8B  }
0xa2: {  	_ =	swait.ge [sflag:s23], $0x1  }
0xa3: {  	[sflag:s23] =	ssyncset.done $0x0  }
0xa4: {  	s25 =	simm.s32 $0x1B8E;
	s24 =	sld [smem:$0x3FFE];
	[sflag:s23] =	ssyncadd.s32 $0xFFFFFFFF  }
0xa5: {  	s26 =	simm.s32 $execute0_lowered;
	[smem:$0x3FD2] =	sst s25  }
0xa6: {  	s5 =	sshll.u32 s26, $0x1;
	_ =	strace $0x80000046;
	[dreg:$0x1] =	wrdreg $0xFFFFFFFF  }
0xa7: {  	s28 =	simm.s32 $_size_execute0_lowered;
	s3 =	sadd.s32 s3, s5;
	[dreg:$0x0] =	wrdreg $0x0  }
0xa8: {  	s5 =	sshll.u32 s28, $0x1;
	[dreg:$0x2] =	wrdreg s3  }
0xa9: {  	[dreg:$0x3] =	wrdreg s5  }
0xaa: {  	[dreg:$0x4] =	wrdreg $0xC0  }
0xab: {  	_ =	task [dreg:s7], $0x5FFFF  }
0xac: {  	[dreg:$0x1] =	wrdreg $0xFFFFFFFF  }
0xad: {  	[dreg:$0x0] =	wrdreg $0x60  }
0xae: {  	[dreg:$0x2] =	wrdreg s24  }
0xaf: {  	[dreg:$0x3] =	wrdreg s2  }
0xb0: {  	[dreg:$0x4] =	wrdreg $0x9  }
0xb1: {  	_ =	task.clear_ibuf [dreg:s7], $0x5FFFF;
	_ =	strace $0x90000046  }
0xb2: {  	s29 =	simm.s32 $0x9;
	_ =	strace $0x80000048  }
0xb3: {  	_ =	swait.ge [sflag:s29], $0x1  }
0xb4: {  	[sflag:s29] =	ssyncadd.s32 $0xFFFFFFFF  }
0xb5: {  	_ =	strace $0x90000048  }
0xb6: {  	_ =	sfence  }
0xb7: {  	s30 =	sld [smem:$0x0];
	_ =	sdelay $0x2  }
0xb8: {  	s31 =	sshll.u32 s1, $0xD;
	s1 =	sshrl.u32 s1, $0x2  }
0xb9: {  	s3 =	sand.u32 $0x4000, s31;
	s1 =	sadd.s32 s1, s30  }
0xba: {  	s0 =	sor.u32 s3, s0;
	s1 =	sshll.u32 s1, $0x11  }
0xbb: {  	s0 =	sor.u32 s1, s0  }
0xbc: {  	s0 =	sadd.s32 $0x8F2B, s0  }
0xbd: {  	[sflag:s0] =	ssyncadd.remote.s32 $0x1  }
0xbe: {  	_ =	sfence.sel $0xFFFF  }
0xbf: {  	[dreg:$0x0] =	wrdreg $0xFFFFFFFF;
	(pc) =	sbr.abs _section_cstart, $3  }
0xc0: {  	[dreg:$0x1] =	wrdreg $0xFFFFFFFF  }
0xc1: {  	_ =	task.clear_ibuf [dreg:s7], $0x2FFFF;
	_ =	strace $0x9FFFFFFF  }
0xc2: {  	(tm) =	ssettm $0x7FFFFFFF  }
0xc3: {  	_ =	shalt  }
tec
execute0_lowered:
.L_overlay_start_1:
0x0: {  	(tag) =	ssettag $0x1  }
0x1: {  	s0 =	srdreg.scid  }
0x2: {  	s4 =	stileid.u32;
	s2 =	rddreg [dreg:$0x0];
	s3 =	simm.s32 $0x0  }
0x3: {  	s16 =	simm.s32 $0x80;
	s28 =	simm.s32 $0x2;
	s29 =	simm.s32 $0x12400  }
0x4: {  	s30 =	simm.s32 $0x3;
	s31 =	simm.s32 $0x14400;
	s15 =	simm.s32 $0xE  }
0x5: {  	s17 =	simm.s32 $0x9;
	s18 =	simm.s32 $0xF;
	s9 =	simm.s32 $0x0  }
0x6: {  	s0 =	sand.u32 $0x1, s0;
	s1 =	sshll.u32 s4, $0x1;
	s5 =	smul.u32 $0x320000, s4  }
0x7: {  	s1 =	sor.u32 s0, s1;
	s6 =	ssub.s32 $0x2, s0;
	s0 =	smul.u32 $0x190000, s0  }
0x8: {  	[smem:$0x7FF] =	sst s3;
	s1 =	smul.u32 $0xC80, s1;
	s7 =	sshrl.u32 s6, $0x1  }
0x9: {  	s4 =	sadd.s32 $0xF42E00, s2;
	_ =	strace $0x80000047;
	s19 =	ssub.s32 s6, s7  }
0xa: {  	s0 =	sadd.s32 s0, s5;
	s6 =	simm.s32 $0x8;
	s1 =	sadd.s32 s1, s2  }
0xb: {  	s20 =	sor.u32 $0xA000, s0;
	s5 =	sor.u32 $0x8000, s0;
	s2 =	smax.u32 s19, $0x1  }
0xc: {  	s22 =	sor.u32 $0x6000, s0;
	s23 =	sor.u32 $0x4000, s0;
	s24 =	sor.u32 $0x2000, s0  }
0xd: {  	s12 =	sshrl.u32 s0, $0x3;
	s26 =	sor.u32 $0xE000, s0;
	s0 =	sor.u32 $0xC000, s0  }
0xe: {  	s19 =	simm.s32 $0xB;
	s1 =	sadd.s32 $0xA00, s1;
	[dreg:$0x4] =	wrdreg s2  }
0xf: {  	s21 =	sshrl.u32 s5, $0x3;
	s25 =	sshrl.u32 s23, $0x3;
	s11 =	sshrl.u32 s24, $0x3  }
0x10: {  	s13 =	sshrl.u32 s26, $0x3;
	s14 =	sshrl.u32 s0, $0x3;
	s26 =	simm.s32 $0x10400  }
.Ltmp0:
0x11: {  	s0 =	simm.s32 $0xA;
	[dreg:$0x3] =	wrdreg s1;
	(pc) =	sbr.rel .LBB2_1-.Ltmp0, $4  }
0x12: {  	s2 =	simm.s32 $0x5;
	s23 =	simm.s32 $0xC;
	[dreg:$0x6] =	wrdreg s21  }
0x13: {  	s5 =	simm.s32 $0xD;
	s1 =	sshrl.u32 s20, $0x3;
	[dreg:$0x8] =	wrdreg s25  }
0x14: {  	s21 =	simm.s32 $0x6;
	[dreg:$0x5] =	wrdreg s1;
	s1 =	sshrl.u32 s22, $0x3  }
0x15: {  	s25 =	simm.s32 $0x7;
	[dreg:$0x7] =	wrdreg s1;
	s1 =	simm.s32 $0x4  }
.LBB2_4:
0x16: {  	s7 =	simm.s32 $0x10  }
0x17: {  	_ =	swait.ge [sflag:s7], $0x2000  }
0x18: {  	[sflag:s7] =	ssyncset.done $0x0  }
0x19: {  	s8 =	simm.s32 $0x11;
	[sflag:s7] =	ssyncadd.s32 $0xFFFFE000  }
0x1a: {  	_ =	swait.ge [sflag:s8], $0x2000  }
0x1b: {  	s9 =	rddreg [dreg:$0x9]  }
0x1c: {  	s24 =	rddreg [dreg:$0x4];
	s9 =	sadd.s32 $0x1, s9  }
0x1d: {  	p0 =	sne.s32 s9, s24  }
.Ltmp1:
0x1e: {  	_ = 	snop;
	(pc) =	sbr.rel @!p0 .LBB2_5-.Ltmp1, $3  }
0x1f: {  	_ =	sdelay $0x1  }
0x20: {  	[sflag:s8] =	ssyncset.done $0x0  }
0x21: {  	[sflag:s8] =	ssyncadd.s32 $0xFFFFE000  }
.LBB2_1:
0x22: {  	[dreg:$0x9] =	wrdreg s9  }
0x23: {  	s7 =	rddreg [dreg:$0x3];
	s10 =	simm.s32 $0x1  }
0x24: {  	[tilespmem:s3], [sflag:$0x1] =	stream.linear.gather [hbm4b:s7+s3], $0x6400, $0x38;
	[tilespmem:$0x16400] =	vst v63  }
0x25: {  	_ =	swait.ge [sflag:s10], $0x6400  }
0x26: {  	[sflag:s10] =	ssyncset.done $0x0  }
0x27: {  	s20 =	simm.s32 $0x6400;
	[sflag:s10] =	ssyncadd.s32 $0xFFFF9C00  }
0x28: {  	[tilespmem:s20], [sflag:$0x2] =	stream.indirect.gather [hbm4b:s4+s16], $0x40, s3, s16, $0xb8;
	[tilespmem:$0x16400] =	vst v63  }
0x29: {  	s22 =	simm.s32 $0x8400  }
0x2a: {  	[tilespmem:s22], [sflag:$0x3] =	stream.indirect.gather [hbm4b:s4+s16], $0x40, s16, s16, $0xb8;
	[tilespmem:$0x16400] =	vst v63  }
0x2b: {  	s24 =	simm.s32 $0x100;
	s8 =	simm.s32 $0xA400  }
0x2c: {  	[tilespmem:s8], [sflag:$0x4] =	stream.indirect.gather [hbm4b:s4+s16], $0x40, s24, s16, $0xb8;
	[tilespmem:$0x16400] =	vst v63  }
0x2d: {  	s9 =	simm.s32 $0x180;
	s10 =	simm.s32 $0xC400  }
0x2e: {  	[tilespmem:s10], [sflag:$0x5] =	stream.indirect.gather [hbm4b:s4+s16], $0x40, s9, s16, $0xb8;
	[tilespmem:$0x16400] =	vst v63  }
0x2f: {  	s20 =	simm.s32 $0x200;
	s22 =	simm.s32 $0xE400  }
0x30: {  	[tilespmem:s22], [sflag:$0x6] =	stream.indirect.gather [hbm4b:s4+s16], $0x40, s20, s16, $0xb8;
	[tilespmem:$0x16400] =	vst v63  }
0x31: {  	s24 =	simm.s32 $0x280;
	s20 =	rddreg [dreg:$0x1];
	s22 =	simm.s32 $0x0  }
0x32: {  	[tilespmem:s26], [sflag:$0x7] =	stream.indirect.gather [hbm4b:s4+s16], $0x40, s24, s16, $0xb8;
	[tilespmem:$0x16400] =	vst v63  }
.LBB2_2:
0x33: {  	_ =	swait.ge [sflag:s28], $0x2000  }
0x34: {  	s24 =	sadd.s32 s20, s12;
	[sflag:s28] =	ssyncset.done $0x0  }
0x35: {  	s7 =	simm.s32 $0x6400;
	p0 =	seq.s32 s22, $0x0;
	[sflag:s28] =	ssyncadd.s32 $0xFFFFE000  }
0x36: {  	[hbm4b:s24+s3] =	stream.linear.scatter [tilespmem:s7], [sflag:$0xA], $0x2000, $0x38;
	[tilespmem:$0x16400] =	vst v63  }
0x37: {  	s7 =	simm.s32 @!p0 $0x10  }
0x38: {  	_ =	swait.ge @!p0 [sflag:s7], $0x2000  }
0x39: {  	s24 =	sshra.s32 s22, $0x2;
	[sflag:s7] =	ssyncset.done @!p0 $0x0  }
0x3a: {  	s8 =	sadd.s32 $0x300, s24;
	[sflag:s7] =	ssyncadd.s32 @!p0 $0xFFFFE000  }
0x3b: {  	[tilespmem:s29], [sflag:$0x8] =	stream.indirect.gather [hbm4b:s4+s16], $0x40, s8, s16, $0xb8;
	[tilespmem:$0x16400] =	vst v63  }
0x3c: {  	_ =	swait.ge [sflag:s30], $0x2000  }
0x3d: {  	s9 =	sadd.s32 s20, s11;
	[sflag:s30] =	ssyncset.done $0x0  }
0x3e: {  	s7 =	simm.s32 @!p0 $0x11;
	s8 =	simm.s32 $0x8400;
	[sflag:s30] =	ssyncadd.s32 $0xFFFFE000  }
0x3f: {  	[hbm4b:s9+s3] =	stream.linear.scatter [tilespmem:s8], [sflag:$0xB], $0x2000, $0x38;
	[tilespmem:$0x16400] =	vst v63  }
0x40: {  	_ =	swait.ge @!p0 [sflag:s7], $0x2000  }
0x41: {  	[sflag:s7] =	ssyncset.done @!p0 $0x0  }
0x42: {  	s10 =	sadd.s32 $0x380, s24;
	[sflag:s7] =	ssyncadd.s32 @!p0 $0xFFFFE000  }
0x43: {  	[tilespmem:s31], [sflag:$0x9] =	stream.indirect.gather [hbm4b:s4+s16], $0x40, s10, s16, $0xb8;
	[tilespmem:$0x16400] =	vst v63  }
0x44: {  	_ =	swait.ge [sflag:s1], $0x2000  }
0x45: {  	[sflag:s1] =	ssyncset.done $0x0;
	s8 =	rddreg [dreg:$0x8]  }
0x46: {  	s9 =	simm.s32 $0xA400;
	[sflag:s1] =	ssyncadd.s32 $0xFFFFE000;
	s7 =	sadd.s32 s20, s8  }
0x47: {  	[hbm4b:s7+s3] =	stream.linear.scatter [tilespmem:s9], [sflag:$0xC], $0x2000, $0x38;
	[tilespmem:$0x16400] =	vst v63  }
0x48: {  	p0 =	seq.s32 s22, $0x18000;
	_ =	swait.ge [sflag:s0], $0x2000  }
0x49: {  	s10 =	simm.s32 @!p0 $0x6400;
	s7 =	sshra.s32 @!p0 s22, $0x2;
	[sflag:s0] =	ssyncset.done $0x0  }
0x4a: {  	s9 =	simm.s32 @!p0 $0x80;
	s8 =	sadd.s32 @!p0 $0x400, s7;
	[sflag:s0] =	ssyncadd.s32 $0xFFFFE000  }
0x4b: {  	[tilespmem:s10], [sflag:$0x2] =	stream.indirect.gather @!p0 [hbm4b:s4+s9], $0x40, s8, s9, $0xb8;
	[tilespmem:$0x16400] =	vst v63  }
0x4c: {  	_ =	swait.ge [sflag:s2], $0x2000  }
0x4d: {  	[sflag:s2] =	ssyncset.done $0x0;
	s10 =	rddreg [dreg:$0x7]  }
0x4e: {  	[sflag:s2] =	ssyncadd.s32 $0xFFFFE000;
	s8 =	sadd.s32 s20, s10;
	s10 =	simm.s32 $0xC400  }
0x4f: {  	[hbm4b:s8+s3] =	stream.linear.scatter [tilespmem:s10], [sflag:$0xD], $0x2000, $0x38;
	[tilespmem:$0x16400] =	vst v63  }
0x50: {  	_ =	swait.ge [sflag:s19], $0x2000  }
0x51: {  	[sflag:s19] =	ssyncset.done $0x0  }
0x52: {  	s8 =	sadd.s32 @!p0 $0x480, s7;
	s10 =	simm.s32 @!p0 $0x8400;
	[sflag:s19] =	ssyncadd.s32 $0xFFFFE000  }
0x53: {  	[tilespmem:s10], [sflag:$0x3] =	stream.indirect.gather @!p0 [hbm4b:s4+s9], $0x40, s8, s9, $0xb8;
	[tilespmem:$0x16400] =	vst v63  }
0x54: {  	_ =	swait.ge [sflag:s21], $0x2000  }
0x55: {  	[sflag:s21] =	ssyncset.done $0x0;
	s10 =	rddreg [dreg:$0x6]  }
0x56: {  	[sflag:s21] =	ssyncadd.s32 $0xFFFFE000;
	s8 =	sadd.s32 s20, s10;
	s10 =	simm.s32 $0xE400  }
0x57: {  	[hbm4b:s8+s3] =	stream.linear.scatter [tilespmem:s10], [sflag:$0xE], $0x2000, $0x38;
	[tilespmem:$0x16400] =	vst v63  }
0x58: {  	_ =	swait.ge [sflag:s23], $0x2000  }
0x59: {  	[sflag:s23] =	ssyncset.done $0x0  }
0x5a: {  	s8 =	sadd.s32 @!p0 $0x500, s7;
	s10 =	simm.s32 @!p0 $0xA400;
	[sflag:s23] =	ssyncadd.s32 $0xFFFFE000  }
0x5b: {  	[tilespmem:s10], [sflag:$0x4] =	stream.indirect.gather @!p0 [hbm4b:s4+s9], $0x40, s8, s9, $0xb8;
	[tilespmem:$0x16400] =	vst v63  }
0x5c: {  	_ =	swait.ge [sflag:s25], $0x2000  }
0x5d: {  	[sflag:s25] =	ssyncset.done $0x0;
	s10 =	rddreg [dreg:$0x5]  }
0x5e: {  	[sflag:s25] =	ssyncadd.s32 $0xFFFFE000;
	s8 =	sadd.s32 s20, s10  }
0x5f: {  	[hbm4b:s8+s3] =	stream.linear.scatter [tilespmem:s26], [sflag:$0xF], $0x2000, $0x38;
	[tilespmem:$0x16400] =	vst v63  }
0x60: {  	_ =	swait.ge [sflag:s5], $0x2000  }
0x61: {  	[sflag:s5] =	ssyncset.done $0x0  }
0x62: {  	s10 =	simm.s32 @!p0 $0xC400;
	s8 =	sadd.s32 @!p0 $0x580, s7;
	[sflag:s5] =	ssyncadd.s32 $0xFFFFE000  }
0x63: {  	[tilespmem:s10], [sflag:$0x5] =	stream.indirect.gather @!p0 [hbm4b:s4+s9], $0x40, s8, s9, $0xb8;
	[tilespmem:$0x16400] =	vst v63  }
0x64: {  	_ =	swait.ge [sflag:s6], $0x2000  }
0x65: {  	[sflag:s6] =	ssyncset.done $0x0  }
0x66: {  	s10 =	sadd.s32 s20, s14;
	[sflag:s6] =	ssyncadd.s32 $0xFFFFE000  }
0x67: {  	[hbm4b:s10+s3] =	stream.linear.scatter [tilespmem:s29], [sflag:$0x10], $0x2000, $0x38;
	[tilespmem:$0x16400] =	vst v63  }
0x68: {  	_ =	swait.ge [sflag:s15], $0x2000  }
0x69: {  	[sflag:s15] =	ssyncset.done $0x0  }
0x6a: {  	s7 =	sadd.s32 @!p0 $0x600, s7;
	s8 =	simm.s32 @!p0 $0xE400;
	[sflag:s15] =	ssyncadd.s32 $0xFFFFE000  }
0x6b: {  	[tilespmem:s8], [sflag:$0x6] =	stream.indirect.gather @!p0 [hbm4b:s4+s9], $0x40, s7, s9, $0xb8;
	[tilespmem:$0x16400] =	vst v63  }
0x6c: {  	_ =	swait.ge [sflag:s17], $0x2000  }
0x6d: {  	[sflag:s17] =	ssyncset.done $0x0  }
.Ltmp2:
0x6e: {  	s10 =	sadd.s32 s20, s13;
	[sflag:s17] =	ssyncadd.s32 $0xFFFFE000;
	(pc) =	sbr.rel @p0 .LBB2_4-.Ltmp2, $4  }
0x6f: {  	[hbm4b:s10+s3] =	stream.linear.scatter [tilespmem:s31], [sflag:$0x11], $0x2000, $0x38;
	[tilespmem:$0x16400] =	vst v63  }
0x70: {  	_ =	swait.ge [sflag:s18], $0x2000  }
0x71: {  	[sflag:s18] =	ssyncset.done $0x0  }
0x72: {  	[sflag:s18] =	ssyncadd.s32 $0xFFFFE000  }
.Ltmp3:
0x73: {  	(pc) =	sbr.rel .LBB2_2-.Ltmp3, $3  }
0x74: {  	_ =	sdelay $0x1  }
0x75: {  	s7 =	sadd.s32 $0x680, s24;
	s22 =	sadd.s32 $0x1000, s22;
	s20 =	sadd.s32 $0x2000, s20  }
0x76: {  	[tilespmem:s26], [sflag:$0x7] =	stream.indirect.gather [hbm4b:s4+s16], $0x40, s7, s16, $0xb8;
	[tilespmem:$0x16400] =	vst v63  }
.LBB2_5:
0x77: {  	_ =	sfence.sel $0x180000  }
0x78: {  	[bflag:$0x0] =	sbarrier.arrive $0xFFFF  }
0x79: {  	_ =	strace $0x90000047  }
0x7a: {  	s0 =	stileid.u32;
	[bflag:$0x2] =	sbarrier.arrive $0xFFFF  }
0x7b: {  	p0 =	sne.s32 s0, $0x0;
	s0 =	rddreg [dreg:$0x2]  }
0x7c: {  	s0 =	sadd.s32 @!p0 $0x100000, s0  }
0x7d: {  	[sflag:s0] =	ssyncadd.tile.s32 @!p0 $0x1;
	_ =	shalt  }
.Lfunc_end2:
_tile_overlayer_lowered:
.L_overlay_start_2:
0x7e: {  	(tag) =	ssettag $0x2  }
0x7f: {  	s0 =	rddreg [dreg:$0x0];
	s2 =	stileid.u32  }
0x80: {  	s1 =	rddreg [dreg:$0x1];
	p0 =	sne.s32 s2, $0x0  }
0x81: {  	s3 =	rddreg [dreg:$0x2];
	[bflag:$0x3] =	sbarrier.arrive $0xFFFF;
	s2 =	simm.s32 @!p0 $0x1C12  }
0x82: {  	[timem:s3], [sflag:s2] =	dma.local @!p0 [hbm:s0], s1  }
0x83: {  	s0 =	simm.s32 @!p0 $0x12  }
0x84: {  	_ =	swait.ge @!p0 [sflag:s0], s1  }
0x85: {  	s1 =	ssub.s32 @!p0 $0x0, s1;
	[sflag:s0] =	ssyncset.done @!p0 $0x0  }
0x86: {  	[sflag:s0] =	ssyncadd.s32 @!p0 s1  }
0x87: {  	[bflag:$0x3] =	sbarrier.arrive $0xFFFF  }
0x88: {  	_ =	shalt  }

// kernel: sparse-core-data-format-call.cloned.1.call-start
scs
called_computation_lowered:
.L_overlay_start_0:
0x0: {  	s2 =	sld [smem:$0x3FD9]  }
0x1: {  	s3 =	sld [smem:$0x3FFE];
	_ =	sdelay $0x1  }
0x2: {  	s1 =	srdreg.scid  }
0x3: {  	s0 =	sand.u32 $0x1, s1  }
0x4: {  	s18 =	sshll.u32 s0, $0xA;
	s2 =	sadd.s32 s3, s2  }
0x5: {  	s2 =	sadd.s32 s2, s18  }
0x6: {  	[smem:$0x3FC6] =	sst s2  }
0x7: {  	_ = 	snop  }
0x8: {  	s2 =	sld [smem:$0x3FD0];
	(tm) =	ssettm $0x1  }
0x9: {  	s19 =	sld [smem:$0x3FFB];
	_ =	sdelay $0x3  }
0xa: {  	_ =	strace s19  }
0xb: {  	s3 =	sld [smem:$0x3FFC];
	_ =	sdelay $0x3  }
0xc: {  	_ =	strace s3  }
0xd: {  	s3 =	sld [smem:$0x3FFD];
	_ =	sdelay $0x3  }
0xe: {  	_ =	strace s3  }
0xf: {  	_ =	strace $0x8FFFFFFF  }
0x10: {  	s20 =	sld [smem:$0x3FDB];
	_ =	sdelay $0x1  }
0x11: {  	s4 =	simm.s32 $_scs_section_size  }
0x12: {  	s5 =	simm.s32 $_size__tile_overlayer_lowered;
	s6 =	simm.s32 $_tile_overlayer_lowered  }
0x13: {  	s23 =	simm.s32 $0x1BFF;
	s22 =	sshll.u32 s6, $0x1;
	s3 =	sadd.s32 s4, s20  }
0x14: {  	s7 =	simm.s32 $0x0;
	s21 =	sshll.u32 s5, $0x1;
	s5 =	sadd.s32 s22, s3  }
0x15: {  	[timem:s7], [sflag:s23] =	dma.local [hbm:s5], s21  }
0x16: {  	_ =	swait.ge [sflag:s23], s21  }
0x17: {  	s4 =	ssub.s32 $0x0, s21;
	[sflag:s23] =	ssyncset.done $0x0  }
0x18: {  	[sflag:s23] =	ssyncadd.s32 s4;
	_ =	sdelay $0x1  }
0x19: {  	s24 =	simm.s32 $0x1B8B  }
0x1a: {  	_ =	swait.ge [sflag:s24], $0x1  }
0x1b: {  	[sflag:s24] =	ssyncset.done $0x0  }
0x1c: {  	s26 =	simm.s32 $0x1B8E;
	s25 =	sld [smem:$0x3FFE];
	[sflag:s24] =	ssyncadd.s32 $0xFFFFFFFF  }
0x1d: {  	s27 =	simm.s32 $execute0_lowered;
	[smem:$0x3FD2] =	sst s26  }
0x1e: {  	s5 =	sshll.u32 s27, $0x1;
	_ =	strace $0x80000049;
	[dreg:$0x1] =	wrdreg $0xFFFFFFFF  }
0x1f: {  	s28 =	simm.s32 $_size_execute0_lowered;
	s3 =	sadd.s32 s3, s5;
	[dreg:$0x0] =	wrdreg $0x0  }
0x20: {  	s5 =	sshll.u32 s28, $0x1;
	[dreg:$0x2] =	wrdreg s3  }
0x21: {  	[dreg:$0x3] =	wrdreg s5  }
0x22: {  	[dreg:$0x4] =	wrdreg $0xC0  }
0x23: {  	_ =	task [dreg:s7], $0x5FFFF  }
0x24: {  	[dreg:$0x1] =	wrdreg $0xFFFFFFFF  }
0x25: {  	[dreg:$0x0] =	wrdreg $0x60  }
0x26: {  	[dreg:$0x2] =	wrdreg s25  }
0x27: {  	[dreg:$0x3] =	wrdreg s2  }
0x28: {  	[dreg:$0x4] =	wrdreg $0x9  }
0x29: {  	_ =	task.clear_ibuf [dreg:s7], $0x5FFFF;
	_ =	strace $0x90000049  }
0x2a: {  	s29 =	simm.s32 $0x9;
	_ =	strace $0x8000004B  }
0x2b: {  	_ =	swait.ge [sflag:s29], $0x1  }
0x2c: {  	[sflag:s29] =	ssyncadd.s32 $0xFFFFFFFF  }
0x2d: {  	_ =	strace $0x9000004B  }
0x2e: {  	_ =	sfence  }
0x2f: {  	s30 =	sld [smem:$0x0];
	_ =	sdelay $0x2  }
0x30: {  	s31 =	sshll.u32 s1, $0xD;
	s1 =	sshrl.u32 s1, $0x2  }
0x31: {  	s3 =	sand.u32 $0x4000, s31;
	s1 =	sadd.s32 s1, s30  }
0x32: {  	s0 =	sor.u32 s3, s0;
	s1 =	sshll.u32 s1, $0x11  }
0x33: {  	s0 =	sor.u32 s1, s0  }
0x34: {  	s0 =	sadd.s32 $0x8F2B, s0  }
0x35: {  	[sflag:s0] =	ssyncadd.remote.s32 $0x1  }
0x36: {  	_ =	sfence.sel $0xFFFF  }
0x37: {  	[dreg:$0x0] =	wrdreg $0xFFFFFFFF;
	(pc) =	sbr.abs _section_cstart, $3  }
0x38: {  	[dreg:$0x1] =	wrdreg $0xFFFFFFFF  }
0x39: {  	_ =	task.clear_ibuf [dreg:s7], $0x2FFFF;
	_ =	strace $0x9FFFFFFF  }
0x3a: {  	(tm) =	ssettm $0x7FFFFFFF  }
0x3b: {  	_ =	shalt  }
tec
execute0_lowered:
.L_overlay_start_1:
0x0: {  	(tag) =	ssettag $0x1  }
0x1: {  	s0 =	srdreg.scid  }
0x2: {  	s1 =	sshll.u32 s0, $0x4  }
0x3: {  	s0 =	stileid.u32;
	s1 =	sand.u32 $0x10, s1  }
0x4: {  	s1 =	sor.u32 s0, s1  }
0x5: {  	s6 =	rddreg [dreg:$0x0];
	s4 =	simm.s32 $0x1;
	s2 =	sshll.u32 s1, $0x7  }
0x6: {  	s7 =	simm.s32 $0x2;
	s12 =	simm.s32 $0x0;
	s1 =	ssub.s32 $0x1000, s2  }
0x7: {  	s8 =	simm.s32 $0x8000;
	s13 =	simm.s32 $0x0;
	s3 =	sand.u32 $0xF80, s1  }
0x8: {  	s9 =	simm.s32 $0x0;
	s5 =	sshrl.u32 s1, $0xC;
	p0 =	sne.s32 s3, $0x0  }
.Ltmp0:
0x9: {  	s1 =	rddreg [dreg:$0x2];
	s4 =	simm.s32 @!p0 $0x0;
	(pc) =	sbr.rel .LBB1_1-.Ltmp0, $4  }
0xa: {  	s11 =	simm.s32 $0x0;
	s3 =	rddreg [dreg:$0x1];
	s5 =	sadd.s32 s4, s5  }
0xb: {  	_ =	strace $0x8000004A;
	s4 =	simm.s32 $0x1;
	s5 =	smul.u32 $0xC8, s5  }
0xc: {  	s6 =	sadd.s32 $0xA00, s6;
	s10 =	smov.u32 s2;
	[sflag:s4] =	ssyncpa.u1 $0x0  }
0xd: {  	p0 =	por $0x0, $0x0;
	[sflag:s7] =	ssyncpa.u1 $0x0;
	s7 =	sor.u32 $0x1, s5  }
.LBB1_4:
0xe: {  	s16 =	sshll.u32 s13, $0x3;
	s17 =	sand.u32 $0x78, s13  }
0xf: {  	s30 =	sand.u32 $0x7E00, s13;
	s12 =	sshll.u32 s12, $0xF;
	s16 =	sand.u32 $0xC00, s16  }
0x10: {  	[tilespmem:s15+$0x810 ss:$0x81] =	vst.msk $0xffff, v2;
	s31 =	sand.u32 $0x7, s13;
	s16 =	sor.u32 s17, s16;
	s17 =	sadd.s32 s3, s30  }
0x11: {  	[tilespmem:s15+$0x1020 ss:$0x81] =	vst.msk $0xffff, v0;
	s13 =	sshll.u32 s31, $0x12;
	s12 =	sadd.s32 s12, s17;
	s16 =	sshrl.u32 s16, $0x3  }
0x12: {  	[tilespmem:s15+$0x0 ss:$0x81] =	vst.msk $0xffff, v1;
	s13 =	sor.u32 $0x400, s13;
	s12 =	sadd.s32 s16, s12  }
0x13: {  	[hbm4b:s12+s13] =	stream.strided.scatter [tilespmem:s14], [sflag:$0x2], $0x2000, s8, s13, $0x20;
	[tilespmem:$0x8080] =	vst v63  }
.LBB1_5:
0x14: {  	s14 =	sadd.s32 $0x1, s9  }
0x15: {  	s12 =	sadd.s32 $0x1000, s10;
	s16 =	smov.u32 s10;
	p2 =	sgt.s32 s14, $0xC7  }
0x16: {  	s16 =	smov.u32 @p2 s12  }
0x17: {  	s14 =	simm.s32 @p2 $0x0;
	p2 =	sgt.s32 s16, $0xFFF  }
0x18: {  	s16 =	smov.u32 @p2 s2;
	p2 =	sne.s32 s11, s7  }
.Ltmp1:
0x19: {  	p1 =	slt.u32 s11, $0x2;
	(pc) =	sbr.rel @!p2 .LBB1_6-.Ltmp1, $4  }
0x1a: {  	s15 =	simm.s32 @!p1 $0x2  }
0x1b: {  	s13 =	smov.u32 s10;
	p0 =	por !p0, !p0;
	_ =	swait.ge @!p1 [sflag:s15], $0x2000  }
0x1c: {  	s12 =	smov.u32 s9;
	[sflag:s15] =	ssyncset.done @!p1 $0x0;
	s9 =	smov.u32 s14  }
0x1d: {  	s11 =	sadd.s32 $0x1, s11;
	[sflag:s15] =	ssyncadd.s32 @!p1 $0xFFFFE000;
	s10 =	smov.u32 s16  }
.LBB1_1:
0x1e: {  	p1 =	sge.u32 s11, s5  }
0x1f: {  	s14 =	sand.u32 @!p1 $0x1FFFFFF, s9  }
0x20: {  	s15 =	smulhi.u32 @!p1 $0x147AE15, s14;
	_ =	sdelay $0x1  }
0x21: {  	s15 =	smul.u32 @!p1 $0xC8, s15  }
0x22: {  	s16 =	sxor.u32 @!p1 $0xFFFFFFFF, s11;
	s17 =	smul.u32 @!p1 $0xC80, s10  }
0x23: {  	s31 =	sadd.s32 $0xFFFFFFFF, s11;
	s16 =	sshll.u32 @!p1 s16, $0xD;
	s14 =	ssub.s32 @!p1 s14, s15  }
0x24: {  	s15 =	sand.u32 @!p1 $0x2000, s16;
	s16 =	sadd.s32 @!p1 s6, s17;
	s14 =	sshll.u32 @!p1 s14, $0x4  }
0x25: {  	s17 =	simm.s32 @!p1 $0x6400;
	s14 =	sadd.s32 @!p1 s14, s16;
	s16 =	simm.s32 @!p1 $0x40  }
0x26: {  	[tilespmem:s15], [sflag:$0x1] =	stream.strided.gather @!p1 [hbm4b:s14+s16], $0x2000, s17, s16, $0x38;
	[tilespmem:$0x8080] =	vst v63  }
0x27: {  	p1 =	sge.u32 s31, s5  }
.Ltmp2:
0x28: {  	_ = 	snop;
	(pc) =	sbr.rel @p1 .LBB1_5-.Ltmp2, $1  }
0x29: {  	_ =	sdelay $0x3  }
0x2a: {  	s14 =	simm.s32 $0x1  }
0x2b: {  	_ =	swait.ge [sflag:s4], $0x2000;
	s14 =	simm.s32 @!p0 $0x0  }
0x2c: {  	[sflag:s4] =	ssyncset.done $0x0;
	s15 =	sshll.u32 s14, $0xD  }
0x2d: {  	[sflag:s4] =	ssyncadd.s32 $0xFFFFE000;
	s18 =	sor.u32 $0x20, s15  }
0x2e: {  	s14 =	smul.u32 $0x8100, s14;
	v3 =	vld [tilespmem:s18+$0x10]  }
0x2f: {  	s30 =	sand.u32 $0x1, s11;
	v2 =	vld [tilespmem:s18+$0xFFFFFFF0]  }
0x30: {  	s15 =	smul.u32 $0x8100, s30;
	s14 =	sshrl.u32 s14, $0x2;
	v0 =	vld [tilespmem:s18+$0x0]  }
0x31: {  	v1 =	vld [tilespmem:s18+$0xFFFFFFE0];
	s16 =	sor.u32 $0x4000, s14  }
0x32: {  	s31 =	sshrl.u32 s15, $0x2;
	s15 =	sadd.s32 $0x0, s16  }
0x33: {  	s17 =	simm.s32 $0x4;
	s18 =	sadd.s32 $0x40, s18;
	s14 =	sor.u32 $0x4000, s31;
	[tilespmem:s15+$0x1830 ss:$0x81] =	vst.msk $0xffff, v3  }
.LBB1_3:
0x34: {  	v3 =	vld [tilespmem:s18+$0x10];
	p1 =	sne.s32 s17, $0x1FC;
	[tilespmem:s15+$0x810 ss:$0x81] =	vst.msk $0xffff, v2;
	s19 =	smov.u32 s17;
	s17 =	sadd.s32 $0x4, s17  }
.Ltmp3:
0x35: {  	v2 =	vld [tilespmem:s18+$0xFFFFFFF0];
	[tilespmem:s15+$0x1020 ss:$0x81] =	vst.msk $0xffff, v0;
	(pc) =	sbr.rel @p1 .LBB1_3-.Ltmp3, $4  }
0x36: {  	v0 =	vld [tilespmem:s18+$0x0];
	[tilespmem:s15+$0x0 ss:$0x81] =	vst.msk $0xffff, v1  }
0x37: {  	s15 =	sshra.s32 s19, $0x2;
	v1 =	vld [tilespmem:s18+$0xFFFFFFE0]  }
0x38: {  	s15 =	sadd.s32 s15, s16  }
0x39: {  	s18 =	sadd.s32 $0x40, s18;
	[tilespmem:s15+$0x1830 ss:$0x81] =	vst.msk $0xffff, v3  }
.Ltmp4:
0x3a: {  	_ = 	snop;
	(pc) =	sbr.rel .LBB1_4-.Ltmp4, $1  }
0x3b: {  	_ =	sdelay $0x3  }
.LBB1_6:
0x3c: {  	_ =	sfence.sel $0x180000  }
0x3d: {  	s2 =	simm.s32 $0x1;
	[bflag:$0x0] =	sbarrier.arrive $0xFFFF  }
0x3e: {  	s31 =	simm.s32 $0x2;
	[sflag:s2] =	ssyncpa.u1 $0x1  }
0x3f: {  	[sflag:s31] =	ssyncpa.u1 $0x1  }
0x40: {  	p0 =	sne.s32 s0, $0x0;
	_ =	strace $0x9000004A  }
0x41: {  	s0 =	sadd.s32 @!p0 $0x100000, s1;
	[bflag:$0x2] =	sbarrier.arrive $0xFFFF  }
0x42: {  	[sflag:s0] =	ssyncadd.tile.s32 @!p0 $0x1;
	_ =	shalt  }
.Lfunc_end1:
_tile_overlayer_lowered:
.L_overlay_start_2:
0x43: {  	(tag) =	ssettag $0x2  }
0x44: {  	s0 =	rddreg [dreg:$0x0];
	s2 =	stileid.u32  }
0x45: {  	s1 =	rddreg [dreg:$0x1];
	p0 =	sne.s32 s2, $0x0  }
0x46: {  	s3 =	rddreg [dreg:$0x2];
	[bflag:$0x3] =	sbarrier.arrive $0xFFFF;
	s2 =	simm.s32 @!p0 $0x1C01  }
0x47: {  	[timem:s3], [sflag:s2] =	dma.local @!p0 [hbm:s0], s1  }
0x48: {  	s0 =	simm.s32 @!p0 $0x1  }
0x49: {  	_ =	swait.ge @!p0 [sflag:s0], s1  }
0x4a: {  	s1 =	ssub.s32 @!p0 $0x0, s1;
	[sflag:s0] =	ssyncset.done @!p0 $0x0  }
0x4b: {  	[sflag:s0] =	ssyncadd.s32 @!p0 s1  }
0x4c: {  	[bflag:$0x3] =	sbarrier.arrive $0xFFFF  }
0x4d: {  	_ =	shalt  }

</sc_bundles>
